<compile_context>
chip_gen: v7x
topology: tpu7x:2x2x1
jax: 0.10.2.dev20260603
libtpu: 0.0.44.dev20260713+nightly
codegen_flags: <defaults>
</compile_context>

<pallas_src>
import functools

import jax
import jax.numpy as jnp
from jax import lax
from jax.experimental import pallas as pl
from jax.experimental.pallas import tpu as pltpu
from jax.experimental.pallas import tpu_sc as plsc

N = 10000
E = 320000
D = 128
EPS = 1e-05

NC = 2
NS = 16
CW = 128
ROWS = E // CW
CH = 157
PR = CH * NS
P = PR * CW
EPT = P // NS
GPT = EPT // NC
GRP = 5
NP = 10240
NSL = NP // NS
BLK = 3200
BR = BLK // CW
NBLK = E // BLK


def _rowsum_body(e_ref, s1_ref, s2_ref):
    x4 = e_ref[...].reshape(1, BR, CW, D)
    s1_ref[...] = jnp.sum(x4, axis=3)
    s2_ref[...] = jnp.sum(x4 * x4, axis=3)


def _rowsums(e):
    return pl.pallas_call(
        _rowsum_body,
        grid=(NBLK,),
        in_specs=[pl.BlockSpec((BLK, D), lambda i: (i, 0))],
        out_specs=[
            pl.BlockSpec((1, BR, CW), lambda i: (i, 0, 0)),
            pl.BlockSpec((1, BR, CW), lambda i: (i, 0, 0)),
        ],
        out_shape=[
            jax.ShapeDtypeStruct((NBLK, BR, CW), jnp.float32),
            jax.ShapeDtypeStruct((NBLK, BR, CW), jnp.float32),
        ],
    )(e)


def _sc_stats(s1g, s2g, dstg):
    mesh = plsc.VectorSubcoreMesh(core_axis_name="c", subcore_axis_name="s")

    @functools.partial(
        pl.kernel,
        mesh=mesh,
        out_type=[
            jax.ShapeDtypeStruct((P,), jnp.float32),
            jax.ShapeDtypeStruct((P,), jnp.float32),
        ],
        compiler_params=pltpu.CompilerParams(needs_layout_passes=False),
        scratch_types=[
            pltpu.VMEM((CH, CW), jnp.int32),
            pltpu.VMEM((CH, CW), jnp.float32),
            pltpu.VMEM((CH, CW), jnp.float32),
            pltpu.VMEM((CW,), jnp.float32),
            pltpu.VMEM((NSL,), jnp.float32),
            pltpu.VMEM((NSL,), jnp.float32),
            pltpu.VMEM((NSL,), jnp.float32),
            pltpu.VMEM((NSL,), jnp.float32),
            pltpu.VMEM((NSL,), jnp.float32),
            pltpu.VMEM((NP,), jnp.float32),
            pltpu.VMEM((NP,), jnp.float32),
            pltpu.VMEM((GPT,), jnp.float32),
            pltpu.VMEM((GPT,), jnp.float32),
            pltpu.VMEM_SHARED((NP,), jnp.float32),
            pltpu.VMEM_SHARED((NP,), jnp.float32),
            pltpu.VMEM_SHARED((NP,), jnp.float32),
            pltpu.VMEM_SHARED((NP,), jnp.float32),
            pltpu.VMEM_SHARED((NP,), jnp.float32),
            pltpu.SemaphoreType.DMA,
        ],
    )
    def k(s1_hbm, s2_hbm, dst_hbm, m_hbm, iv_hbm,
          dst_v, s1_v, s2_v, ones_v, u1, u2, u3, msl, ivsl,
          m_v, iv_v, om_v, oiv_v, a1, a2, a3, m_sh, iv_sh, sem):
        c = lax.axis_index("c")
        s = lax.axis_index("s")
        pltpu.sync_copy(dst_hbm.at[s], dst_v)
        pltpu.sync_copy(s1_hbm.at[s], s1_v)
        pltpu.sync_copy(s2_hbm.at[s], s2_v)

        def fill_ones(i, carry):
            ones_v[pl.ds(i * 16, 16)] = jnp.ones((16,), jnp.float32)
            return carry

        lax.fori_loop(0, CW // 16, fill_ones, 0)

        def zloop(i, carry):
            u1[pl.ds(i * 16, 16)] = jnp.zeros((16,), jnp.float32)
            return carry

        lax.fori_loop(0, NSL // 16, zloop, 0)
        nbase = s * NSL
        pltpu.sync_copy(u1, a1.at[pl.ds(nbase, NSL)])
        pltpu.sync_copy(u1, a2.at[pl.ds(nbase, NSL)])
        pltpu.sync_copy(u1, a3.at[pl.ds(nbase, NSL)])
        plsc.subcore_barrier()

        def fire(kk):
            idx = dst_v.at[kk]
            return [
                pltpu.async_copy(s1_v.at[kk], a1.at[idx], sem, add=True),
                pltpu.async_copy(s2_v.at[kk], a2.at[idx], sem, add=True),
                pltpu.async_copy(ones_v, a3.at[idx], sem, add=True),
            ]

        def sgroup(i, carry):
            cps = []
            for j in range(GRP):
                cps.extend(fire(i * GRP + j))
            for cp in cps:
                cp.wait()
            return carry

        lax.fori_loop(0, CH // GRP, sgroup, 0)
        cps = []
        for kk in range((CH // GRP) * GRP, CH):
            cps.extend(fire(kk))
        for cp in cps:
            cp.wait()
        plsc.subcore_barrier()

        pltpu.sync_copy(a1.at[pl.ds(nbase, NSL)], u1)
        pltpu.sync_copy(a2.at[pl.ds(nbase, NSL)], u2)
        pltpu.sync_copy(a3.at[pl.ds(nbase, NSL)], u3)
        magic = jnp.full((16,), 0x5F3759DF, dtype=jnp.int32)

        def stat(i, carry):
            sl = pl.ds(i * 16, 16)
            count = u3[sl] * float(D)
            mean = u1[sl] / jnp.maximum(count, 1.0)
            ss = jnp.maximum(u2[sl] - count * mean * mean, 0.0)
            var = ss / jnp.maximum(count - 1.0, 1.0)
            var = jnp.maximum(var, 1e-30)
            vi = plsc.bitcast(var, jnp.int32)
            r = plsc.bitcast(magic - lax.shift_right_logical(vi, 1),
                             jnp.float32)
            half = -0.5 * var
            r = r * (1.5 + half * r * r)
            r = r * (1.5 + half * r * r)
            r = r * (1.5 + half * r * r)
            std = var * r
            msl[sl] = mean
            ivsl[sl] = 1.0 / (std + EPS)
            return carry

        lax.fori_loop(0, NSL // 16, stat, 0)
        pltpu.sync_copy(msl, m_sh.at[pl.ds(nbase, NSL)])
        pltpu.sync_copy(ivsl, iv_sh.at[pl.ds(nbase, NSL)])
        plsc.subcore_barrier()

        pltpu.sync_copy(m_sh, m_v)
        pltpu.sync_copy(iv_sh, iv_v)

        def chunk(t, carry):
            p = c * GPT + t * 16
            row = p // CW
            col = p % CW
            idx = dst_v[row, pl.ds(col, 16)]
            om_v[pl.ds(t * 16, 16)] = plsc.load_gather(m_v, [idx])
            oiv_v[pl.ds(t * 16, 16)] = plsc.load_gather(iv_v, [idx])
            return carry

        lax.fori_loop(0, GPT // 16, chunk, 0)
        obase = s * EPT + c * GPT
        pltpu.sync_copy(om_v, m_hbm.at[pl.ds(obase, GPT)])
        pltpu.sync_copy(oiv_v, iv_hbm.at[pl.ds(obase, GPT)])

    return k(s1g, s2g, dstg)


def _final_body(e_ref, m_ref, iv_ref, g_ref, b_ref, o_ref):
    x4 = e_ref[...].reshape(1, BR, CW, D)
    mean = lax.broadcast_in_dim(m_ref[...], (1, BR, CW, D), (0, 1, 2))
    inv = lax.broadcast_in_dim(iv_ref[...], (1, BR, CW, D), (0, 1, 2))
    g4 = lax.broadcast_in_dim(g_ref[...], (1, BR, CW, D), (0, 3))
    b4 = lax.broadcast_in_dim(b_ref[...], (1, BR, CW, D), (0, 3))
    o_ref[...] = (g4 * ((x4 - mean) * inv) + b4).reshape(BLK, D)


def _final(e, m2, iv2, gamma, beta):
    return pl.pallas_call(
        _final_body,
        grid=(NBLK,),
        in_specs=[
            pl.BlockSpec((BLK, D), lambda i: (i, 0)),
            pl.BlockSpec((1, BR, CW), lambda i: (i, 0, 0)),
            pl.BlockSpec((1, BR, CW), lambda i: (i, 0, 0)),
            pl.BlockSpec((1, D), lambda i: (0, 0)),
            pl.BlockSpec((1, D), lambda i: (0, 0)),
        ],
        out_specs=pl.BlockSpec((BLK, D), lambda i: (i, 0)),
        out_shape=jax.ShapeDtypeStruct((E, D), jnp.float32),
    )(e, m2, iv2, gamma, beta)


def kernel(e, edge_index, gamma, beta):
    dst = edge_index[1].astype(jnp.int32)
    s1d, s2d = _rowsums(e)
    padr = ((0, PR - ROWS), (0, 0))
    s1g = jnp.pad(s1d.reshape(ROWS, CW), padr).reshape(NS, CH, CW)
    s2g = jnp.pad(s2d.reshape(ROWS, CW), padr).reshape(NS, CH, CW)
    dstg = jnp.pad(dst.reshape(ROWS, CW), padr,
                   constant_values=N).reshape(NS, CH, CW)
    m1, iv1 = _sc_stats(s1g, s2g, dstg)
    m2 = m1[:E].reshape(NBLK, BR, CW)
    iv2 = iv1[:E].reshape(NBLK, BR, CW)
    return _final(e, m2, iv2, gamma.reshape(1, D), beta.reshape(1, D))

# --- scband reference (transcript-rebuilt; emitter-appended) ---
"""Pipeline reference for scband-adja-edge-norm-11209864643250 (READ-ONLY COPY).

The authoritative reference and input builder live on the scoring server;
editing this copy changes nothing except your own understanding.
"""

import jax, jax.numpy as jnp
import numpy as np

N = 10000
E = 320000
D = 128
EPS = 1e-05

def setup_inputs(seed: int = 0):
    key = jax.random.key(seed)
    k1, k2 = jax.random.split(key)
    e = jax.random.normal(k1, (E, D), dtype=jnp.float32)
    edge_index = jax.random.randint(k2, (2, E), 0, N)
    gamma = jnp.ones((D,), dtype=jnp.float32)
    beta = jnp.zeros((D,), dtype=jnp.float32)
    return {"e": e, "edge_index": edge_index, "gamma": gamma, "beta": beta}

def reference(e, edge_index, gamma, beta):
    # DGL semantics: for each dst node, gather incoming edge features (mailbox [deg, D]),
    # compute scalar mean over (deg, D) and unbiased std over (deg, D), broadcast back to edges.
    dst = edge_index[1]
    ones = jnp.ones((E,), dtype=e.dtype)
    deg = jax.ops.segment_sum(ones, dst, num_segments=N)          # [N]
    count = deg * D                                                # elements per mailbox
    total = jax.ops.segment_sum(e, dst, num_segments=N).sum(axis=1)  # [N]
    mean = jnp.where(count > 0, total / jnp.maximum(count, 1.0), 0.0)  # [N]
    diff = e - mean[dst][:, None]                                  # [E, D]
    ss = jax.ops.segment_sum(jnp.sum(diff * diff, axis=1), dst, num_segments=N)  # [N]
    var_unbiased = ss / jnp.maximum(count - 1.0, 1.0)              # torch.std default correction=1
    std = jnp.sqrt(var_unbiased)                                   # [N]
    edge_mean = mean[dst][:, None]                                 # [E, D] (broadcast)
    edge_std = std[dst][:, None]                                   # [E, D] (broadcast)
    norm_e = (e - edge_mean) / (edge_std + EPS)
    return gamma * norm_e + beta

if __name__ == "__main__":
    import jax
    _d = setup_inputs()
    print(jax.jit(kernel)(*tuple(_d.values())))

</pallas_src>

<mosaic_0001>
#map = affine_map<(d0, d1) -> (0, 0, 0)>
#map1 = affine_map<(d0, d1) -> (0)>
module attributes {stable_mosaic.version = 14 : i64} {
  func.func @k(%arg0: i32, %arg1: i32, %arg2: memref<16x157x128xf32, #tpu.memory_space<hbm>>, %arg3: memref<16x157x128xf32, #tpu.memory_space<hbm>>, %arg4: memref<16x157x128xi32, #tpu.memory_space<hbm>>, %arg5: memref<321536xf32, #tpu.memory_space<hbm>>, %arg6: memref<321536xf32, #tpu.memory_space<hbm>>, %arg7: memref<157x128xi32, #tpu.memory_space<vmem>>, %arg8: memref<157x128xf32, #tpu.memory_space<vmem>>, %arg9: memref<157x128xf32, #tpu.memory_space<vmem>>, %arg10: memref<128xf32, #tpu.memory_space<vmem>>, %arg11: memref<640xf32, #tpu.memory_space<vmem>>, %arg12: memref<640xf32, #tpu.memory_space<vmem>>, %arg13: memref<640xf32, #tpu.memory_space<vmem>>, %arg14: memref<640xf32, #tpu.memory_space<vmem>>, %arg15: memref<640xf32, #tpu.memory_space<vmem>>, %arg16: memref<10240xf32, #tpu.memory_space<vmem>>, %arg17: memref<10240xf32, #tpu.memory_space<vmem>>, %arg18: memref<10048xf32, #tpu.memory_space<vmem>>, %arg19: memref<10048xf32, #tpu.memory_space<vmem>>, %arg20: memref<10240xf32, #tpu.memory_space<vmem_shared>>, %arg21: memref<10240xf32, #tpu.memory_space<vmem_shared>>, %arg22: memref<10240xf32, #tpu.memory_space<vmem_shared>>, %arg23: memref<10240xf32, #tpu.memory_space<vmem_shared>>, %arg24: memref<10240xf32, #tpu.memory_space<vmem_shared>>, %arg25: memref<!tpu.dma_semaphore, #tpu.memory_space<semaphore_mem>>) attributes {dimension_semantics = [#tpu.dimension_semantics<core_parallel>, #tpu.dimension_semantics<subcore_parallel>], iteration_bounds = array<i64: 2, 16>, scalar_prefetch = 0 : i64, scratch_operands = 19 : i64, tpu.core_type = #tpu.core_type<sc_vector_subcore>, window_params = [{transform_indices = #map}, {transform_indices = #map}, {transform_indices = #map}, {transform_indices = #map1}, {transform_indices = #map1}]} {
    "tpu.region"() ({
      %run_scoped3A = tpu.sem_alloc : memref<!tpu.dma_semaphore, #tpu.memory_space<semaphore_mem>>
      %dma_start3A_139 = arith.constant 0 : i32
      %dma_start3A_140 = arith.constant 0 : i32
      %dma_start3A_141 = tpu.memref_slice %arg4[%arg1, %dma_start3A_139, %dma_start3A_140] : memref<16x157x128xi32, #tpu.memory_space<hbm>> -> memref<1x157x128xi32, #tpu.memory_space<hbm>>
      %dma_start3A_142 = tpu.memref_squeeze %dma_start3A_141 : memref<1x157x128xi32, #tpu.memory_space<hbm>> -> memref<157x128xi32, #tpu.memory_space<hbm>>
      %dma_start3A_143 = arith.constant 0 : i32
      %dma_start3A_144 = arith.constant 0 : i32
      %dma_start3A_145 = tpu.memref_slice %arg4[%arg1, %dma_start3A_143, %dma_start3A_144] : memref<16x157x128xi32, #tpu.memory_space<hbm>> -> memref<1x157x128xi32, #tpu.memory_space<hbm>>
      %dma_start3A_146 = tpu.memref_squeeze %dma_start3A_145 : memref<1x157x128xi32, #tpu.memory_space<hbm>> -> memref<157x128xi32, #tpu.memory_space<hbm>>
      tpu.enqueue_dma source(%dma_start3A_146 : memref<157x128xi32, #tpu.memory_space<hbm>>) target(%arg7 : memref<157x128xi32, #tpu.memory_space<vmem>>) target_semaphore(%run_scoped3A : memref<!tpu.dma_semaphore, #tpu.memory_space<semaphore_mem>>)
      %dma_wait3A_147 = arith.constant 0 : i32
      %dma_wait3A_148 = arith.constant 0 : i32
      %dma_wait3A_149 = tpu.memref_slice %arg4[%arg1, %dma_wait3A_147, %dma_wait3A_148] : memref<16x157x128xi32, #tpu.memory_space<hbm>> -> memref<1x157x128xi32, #tpu.memory_space<hbm>>
      %dma_wait3A_150 = tpu.memref_squeeze %dma_wait3A_149 : memref<1x157x128xi32, #tpu.memory_space<hbm>> -> memref<157x128xi32, #tpu.memory_space<hbm>>
      %dma_wait3A_151 = arith.constant 0 : i32
      %dma_wait3A_152 = arith.constant 0 : i32
      %dma_wait3A_153 = tpu.memref_slice %arg4[%arg1, %dma_wait3A_151, %dma_wait3A_152] : memref<16x157x128xi32, #tpu.memory_space<hbm>> -> memref<1x157x128xi32, #tpu.memory_space<hbm>>
      %dma_wait3A_154 = tpu.memref_squeeze %dma_wait3A_153 : memref<1x157x128xi32, #tpu.memory_space<hbm>> -> memref<157x128xi32, #tpu.memory_space<hbm>>
      tpu.wait_dma2 semaphore(%run_scoped3A : memref<!tpu.dma_semaphore, #tpu.memory_space<semaphore_mem>>) src(%dma_wait3A_154 : memref<157x128xi32, #tpu.memory_space<hbm>>) dst(%arg7 : memref<157x128xi32, #tpu.memory_space<vmem>>)
      tpu.yield
    }) : () -> ()
    "tpu.region"() ({
      %run_scoped3A = tpu.sem_alloc : memref<!tpu.dma_semaphore, #tpu.memory_space<semaphore_mem>>
      %dma_start3A_139 = arith.constant 0 : i32
      %dma_start3A_140 = arith.constant 0 : i32
      %dma_start3A_141 = tpu.memref_slice %arg2[%arg1, %dma_start3A_139, %dma_start3A_140] : memref<16x157x128xf32, #tpu.memory_space<hbm>> -> memref<1x157x128xf32, #tpu.memory_space<hbm>>
      %dma_start3A_142 = tpu.memref_squeeze %dma_start3A_141 : memref<1x157x128xf32, #tpu.memory_space<hbm>> -> memref<157x128xf32, #tpu.memory_space<hbm>>
      %dma_start3A_143 = arith.constant 0 : i32
      %dma_start3A_144 = arith.constant 0 : i32
      %dma_start3A_145 = tpu.memref_slice %arg2[%arg1, %dma_start3A_143, %dma_start3A_144] : memref<16x157x128xf32, #tpu.memory_space<hbm>> -> memref<1x157x128xf32, #tpu.memory_space<hbm>>
      %dma_start3A_146 = tpu.memref_squeeze %dma_start3A_145 : memref<1x157x128xf32, #tpu.memory_space<hbm>> -> memref<157x128xf32, #tpu.memory_space<hbm>>
      tpu.enqueue_dma source(%dma_start3A_146 : memref<157x128xf32, #tpu.memory_space<hbm>>) target(%arg8 : memref<157x128xf32, #tpu.memory_space<vmem>>) target_semaphore(%run_scoped3A : memref<!tpu.dma_semaphore, #tpu.memory_space<semaphore_mem>>)
      %dma_wait3A_147 = arith.constant 0 : i32
      %dma_wait3A_148 = arith.constant 0 : i32
      %dma_wait3A_149 = tpu.memref_slice %arg2[%arg1, %dma_wait3A_147, %dma_wait3A_148] : memref<16x157x128xf32, #tpu.memory_space<hbm>> -> memref<1x157x128xf32, #tpu.memory_space<hbm>>
      %dma_wait3A_150 = tpu.memref_squeeze %dma_wait3A_149 : memref<1x157x128xf32, #tpu.memory_space<hbm>> -> memref<157x128xf32, #tpu.memory_space<hbm>>
      %dma_wait3A_151 = arith.constant 0 : i32
      %dma_wait3A_152 = arith.constant 0 : i32
      %dma_wait3A_153 = tpu.memref_slice %arg2[%arg1, %dma_wait3A_151, %dma_wait3A_152] : memref<16x157x128xf32, #tpu.memory_space<hbm>> -> memref<1x157x128xf32, #tpu.memory_space<hbm>>
      %dma_wait3A_154 = tpu.memref_squeeze %dma_wait3A_153 : memref<1x157x128xf32, #tpu.memory_space<hbm>> -> memref<157x128xf32, #tpu.memory_space<hbm>>
      tpu.wait_dma2 semaphore(%run_scoped3A : memref<!tpu.dma_semaphore, #tpu.memory_space<semaphore_mem>>) src(%dma_wait3A_154 : memref<157x128xf32, #tpu.memory_space<hbm>>) dst(%arg8 : memref<157x128xf32, #tpu.memory_space<vmem>>)
      tpu.yield
    }) : () -> ()
    "tpu.region"() ({
      %run_scoped3A = tpu.sem_alloc : memref<!tpu.dma_semaphore, #tpu.memory_space<semaphore_mem>>
      %dma_start3A_139 = arith.constant 0 : i32
      %dma_start3A_140 = arith.constant 0 : i32
      %dma_start3A_141 = tpu.memref_slice %arg3[%arg1, %dma_start3A_139, %dma_start3A_140] : memref<16x157x128xf32, #tpu.memory_space<hbm>> -> memref<1x157x128xf32, #tpu.memory_space<hbm>>
      %dma_start3A_142 = tpu.memref_squeeze %dma_start3A_141 : memref<1x157x128xf32, #tpu.memory_space<hbm>> -> memref<157x128xf32, #tpu.memory_space<hbm>>
      %dma_start3A_143 = arith.constant 0 : i32
      %dma_start3A_144 = arith.constant 0 : i32
      %dma_start3A_145 = tpu.memref_slice %arg3[%arg1, %dma_start3A_143, %dma_start3A_144] : memref<16x157x128xf32, #tpu.memory_space<hbm>> -> memref<1x157x128xf32, #tpu.memory_space<hbm>>
      %dma_start3A_146 = tpu.memref_squeeze %dma_start3A_145 : memref<1x157x128xf32, #tpu.memory_space<hbm>> -> memref<157x128xf32, #tpu.memory_space<hbm>>
      tpu.enqueue_dma source(%dma_start3A_146 : memref<157x128xf32, #tpu.memory_space<hbm>>) target(%arg9 : memref<157x128xf32, #tpu.memory_space<vmem>>) target_semaphore(%run_scoped3A : memref<!tpu.dma_semaphore, #tpu.memory_space<semaphore_mem>>)
      %dma_wait3A_147 = arith.constant 0 : i32
      %dma_wait3A_148 = arith.constant 0 : i32
      %dma_wait3A_149 = tpu.memref_slice %arg3[%arg1, %dma_wait3A_147, %dma_wait3A_148] : memref<16x157x128xf32, #tpu.memory_space<hbm>> -> memref<1x157x128xf32, #tpu.memory_space<hbm>>
      %dma_wait3A_150 = tpu.memref_squeeze %dma_wait3A_149 : memref<1x157x128xf32, #tpu.memory_space<hbm>> -> memref<157x128xf32, #tpu.memory_space<hbm>>
      %dma_wait3A_151 = arith.constant 0 : i32
      %dma_wait3A_152 = arith.constant 0 : i32
      %dma_wait3A_153 = tpu.memref_slice %arg3[%arg1, %dma_wait3A_151, %dma_wait3A_152] : memref<16x157x128xf32, #tpu.memory_space<hbm>> -> memref<1x157x128xf32, #tpu.memory_space<hbm>>
      %dma_wait3A_154 = tpu.memref_squeeze %dma_wait3A_153 : memref<1x157x128xf32, #tpu.memory_space<hbm>> -> memref<157x128xf32, #tpu.memory_space<hbm>>
      tpu.wait_dma2 semaphore(%run_scoped3A : memref<!tpu.dma_semaphore, #tpu.memory_space<semaphore_mem>>) src(%dma_wait3A_154 : memref<157x128xf32, #tpu.memory_space<hbm>>) dst(%arg9 : memref<157x128xf32, #tpu.memory_space<vmem>>)
      tpu.yield
    }) : () -> ()
    %scan3A = arith.constant 0 : i32
    %scan3A_0 = arith.constant 0 : i32
    %scan3A_1 = arith.constant 8 : i32
    %scan3A_2 = arith.addi %scan3A_0, %scan3A_1 : i32
    %scan3A_3 = arith.constant 1 : i32
    scf.for %scan3A_139 = %scan3A_0 to %scan3A_2 step %scan3A_3  : i32 {
      %broadcast_in_dim3A_140 = arith.constant 1.000000e+00 : f32
      %broadcast_in_dim3A_141 = vector.broadcast %broadcast_in_dim3A_140 : f32 to vector<16xf32>
      %mul3A_142 = arith.constant 16 : i32
      %mul3A_143 = arith.muli %scan3A_139, %mul3A_142 : i32
      %swap3A = arith.index_cast %mul3A_143 : i32 to index
      %swap3A_144 = tpu.vector_load %arg10[%swap3A] {strides = array<i32>} : memref<128xf32, #tpu.memory_space<vmem>>, vector<16xf32>,
      tpu.vector_store %arg10[%swap3A], %broadcast_in_dim3A_141 {strides = array<i32>} : memref<128xf32, #tpu.memory_space<vmem>>, vector<16xf32>,
    }
    %scan3A_4 = arith.constant 8 : i32
    %scan3A_5 = arith.constant 0 : i32
    %scan3A_6 = arith.constant 0 : i32
    %scan3A_7 = arith.constant 40 : i32
    %scan3A_8 = arith.addi %scan3A_6, %scan3A_7 : i32
    %scan3A_9 = arith.constant 1 : i32
    scf.for %scan3A_139 = %scan3A_6 to %scan3A_8 step %scan3A_9  : i32 {
      %broadcast_in_dim3A_140 = arith.constant 0.000000e+00 : f32
      %broadcast_in_dim3A_141 = vector.broadcast %broadcast_in_dim3A_140 : f32 to vector<16xf32>
      %mul3A_142 = arith.constant 16 : i32
      %mul3A_143 = arith.muli %scan3A_139, %mul3A_142 : i32
      %swap3A = arith.index_cast %mul3A_143 : i32 to index
      %swap3A_144 = tpu.vector_load %arg11[%swap3A] {strides = array<i32>} : memref<640xf32, #tpu.memory_space<vmem>>, vector<16xf32>,
      tpu.vector_store %arg11[%swap3A], %broadcast_in_dim3A_141 {strides = array<i32>} : memref<640xf32, #tpu.memory_space<vmem>>, vector<16xf32>,
    }
    %scan3A_10 = arith.constant 40 : i32
    %mul3A = arith.constant 640 : i32
    %mul3A_11 = arith.muli %arg1, %mul3A : i32
    "tpu.region"() ({
      %run_scoped3A = tpu.sem_alloc : memref<!tpu.dma_semaphore, #tpu.memory_space<semaphore_mem>>
      %dma_start3A_139 = tpu.memref_slice %arg20[%mul3A_11] : memref<10240xf32, #tpu.memory_space<vmem_shared>> -> memref<640xf32, #tpu.memory_space<vmem_shared>>
      %dma_start3A_140 = tpu.memref_slice %arg20[%mul3A_11] : memref<10240xf32, #tpu.memory_space<vmem_shared>> -> memref<640xf32, #tpu.memory_space<vmem_shared>>
      tpu.enqueue_dma source(%arg11 : memref<640xf32, #tpu.memory_space<vmem>>) target(%dma_start3A_140 : memref<640xf32, #tpu.memory_space<vmem_shared>>) target_semaphore(%run_scoped3A : memref<!tpu.dma_semaphore, #tpu.memory_space<semaphore_mem>>)
      %dma_wait3A_141 = tpu.memref_slice %arg20[%mul3A_11] : memref<10240xf32, #tpu.memory_space<vmem_shared>> -> memref<640xf32, #tpu.memory_space<vmem_shared>>
      %dma_wait3A_142 = tpu.memref_slice %arg20[%mul3A_11] : memref<10240xf32, #tpu.memory_space<vmem_shared>> -> memref<640xf32, #tpu.memory_space<vmem_shared>>
      tpu.wait_dma2 semaphore(%run_scoped3A : memref<!tpu.dma_semaphore, #tpu.memory_space<semaphore_mem>>) src(%arg11 : memref<640xf32, #tpu.memory_space<vmem>>) dst(%dma_wait3A_142 : memref<640xf32, #tpu.memory_space<vmem_shared>>)
      tpu.yield
    }) : () -> ()
    "tpu.region"() ({
      %run_scoped3A = tpu.sem_alloc : memref<!tpu.dma_semaphore, #tpu.memory_space<semaphore_mem>>
      %dma_start3A_139 = tpu.memref_slice %arg21[%mul3A_11] : memref<10240xf32, #tpu.memory_space<vmem_shared>> -> memref<640xf32, #tpu.memory_space<vmem_shared>>
      %dma_start3A_140 = tpu.memref_slice %arg21[%mul3A_11] : memref<10240xf32, #tpu.memory_space<vmem_shared>> -> memref<640xf32, #tpu.memory_space<vmem_shared>>
      tpu.enqueue_dma source(%arg11 : memref<640xf32, #tpu.memory_space<vmem>>) target(%dma_start3A_140 : memref<640xf32, #tpu.memory_space<vmem_shared>>) target_semaphore(%run_scoped3A : memref<!tpu.dma_semaphore, #tpu.memory_space<semaphore_mem>>)
      %dma_wait3A_141 = tpu.memref_slice %arg21[%mul3A_11] : memref<10240xf32, #tpu.memory_space<vmem_shared>> -> memref<640xf32, #tpu.memory_space<vmem_shared>>
      %dma_wait3A_142 = tpu.memref_slice %arg21[%mul3A_11] : memref<10240xf32, #tpu.memory_space<vmem_shared>> -> memref<640xf32, #tpu.memory_space<vmem_shared>>
      tpu.wait_dma2 semaphore(%run_scoped3A : memref<!tpu.dma_semaphore, #tpu.memory_space<semaphore_mem>>) src(%arg11 : memref<640xf32, #tpu.memory_space<vmem>>) dst(%dma_wait3A_142 : memref<640xf32, #tpu.memory_space<vmem_shared>>)
      tpu.yield
    }) : () -> ()
    "tpu.region"() ({
      %run_scoped3A = tpu.sem_alloc : memref<!tpu.dma_semaphore, #tpu.memory_space<semaphore_mem>>
      %dma_start3A_139 = tpu.memref_slice %arg22[%mul3A_11] : memref<10240xf32, #tpu.memory_space<vmem_shared>> -> memref<640xf32, #tpu.memory_space<vmem_shared>>
      %dma_start3A_140 = tpu.memref_slice %arg22[%mul3A_11] : memref<10240xf32, #tpu.memory_space<vmem_shared>> -> memref<640xf32, #tpu.memory_space<vmem_shared>>
      tpu.enqueue_dma source(%arg11 : memref<640xf32, #tpu.memory_space<vmem>>) target(%dma_start3A_140 : memref<640xf32, #tpu.memory_space<vmem_shared>>) target_semaphore(%run_scoped3A : memref<!tpu.dma_semaphore, #tpu.memory_space<semaphore_mem>>)
      %dma_wait3A_141 = tpu.memref_slice %arg22[%mul3A_11] : memref<10240xf32, #tpu.memory_space<vmem_shared>> -> memref<640xf32, #tpu.memory_space<vmem_shared>>
      %dma_wait3A_142 = tpu.memref_slice %arg22[%mul3A_11] : memref<10240xf32, #tpu.memory_space<vmem_shared>> -> memref<640xf32, #tpu.memory_space<vmem_shared>>
      tpu.wait_dma2 semaphore(%run_scoped3A : memref<!tpu.dma_semaphore, #tpu.memory_space<semaphore_mem>>) src(%arg11 : memref<640xf32, #tpu.memory_space<vmem>>) dst(%dma_wait3A_142 : memref<640xf32, #tpu.memory_space<vmem_shared>>)
      tpu.yield
    }) : () -> ()
    %barrier3A = arith.constant 0 : index
    tpu.barrier barrier_id(%barrier3A)
    %scan3A_12 = arith.constant 0 : i32
    %scan3A_13 = arith.constant 0 : i32
    %scan3A_14 = arith.constant 31 : i32
    %scan3A_15 = arith.addi %scan3A_13, %scan3A_14 : i32
    %scan3A_16 = arith.constant 1 : i32
    scf.for %scan3A_139 = %scan3A_13 to %scan3A_15 step %scan3A_16  : i32 {
      %mul3A_140 = arith.constant 5 : i32
      %mul3A_141 = arith.muli %scan3A_139, %mul3A_140 : i32
      %add3A_142 = arith.constant 0 : i32
      %add3A_143 = arith.addi %mul3A_141, %add3A_142 : i32
      %dma_start3A_144 = arith.constant 0 : i32
      %dma_start3A_145 = tpu.memref_slice %arg8[%add3A_143, %dma_start3A_144] : memref<157x128xf32, #tpu.memory_space<vmem>> -> memref<1x128xf32, #tpu.memory_space<vmem>>
      %dma_start3A_146 = tpu.memref_squeeze %dma_start3A_145 : memref<1x128xf32, #tpu.memory_space<vmem>> -> memref<128xf32, #tpu.memory_space<vmem>>
      %dma_start3A_147 = arith.constant 0 : i32
      %dma_start3A_148 = tpu.memref_slice %arg7[%add3A_143, %dma_start3A_147] : memref<157x128xi32, #tpu.memory_space<vmem>> -> memref<1x128xi32, #tpu.memory_space<vmem>>
      %dma_start3A_149 = tpu.memref_squeeze %dma_start3A_148 : memref<1x128xi32, #tpu.memory_space<vmem>> -> memref<128xi32, #tpu.memory_space<vmem>>
      %dma_start3A_150 = arith.constant 0 : i32
      %dma_start3A_151 = tpu.memref_slice %arg20[%dma_start3A_150] : memref<10240xf32, #tpu.memory_space<vmem_shared>> -> memref<10240xf32, #tpu.memory_space<vmem_shared>>
      tpu.enqueue_indirect_dma source(%dma_start3A_146 : memref<128xf32, #tpu.memory_space<vmem>>) target(%dma_start3A_151 : memref<10240xf32, #tpu.memory_space<vmem_shared>>) offsets(%dma_start3A_149 : memref<128xi32, #tpu.memory_space<vmem>>) semaphore(%arg25 : memref<!tpu.dma_semaphore, #tpu.memory_space<semaphore_mem>>) {add = true}
      %dma_start3A_152 = arith.constant 0 : i32
      %dma_start3A_153 = tpu.memref_slice %arg9[%add3A_143, %dma_start3A_152] : memref<157x128xf32, #tpu.memory_space<vmem>> -> memref<1x128xf32, #tpu.memory_space<vmem>>
      %dma_start3A_154 = tpu.memref_squeeze %dma_start3A_153 : memref<1x128xf32, #tpu.memory_space<vmem>> -> memref<128xf32, #tpu.memory_space<vmem>>
      %dma_start3A_155 = arith.constant 0 : i32
      %dma_start3A_156 = tpu.memref_slice %arg7[%add3A_143, %dma_start3A_155] : memref<157x128xi32, #tpu.memory_space<vmem>> -> memref<1x128xi32, #tpu.memory_space<vmem>>
      %dma_start3A_157 = tpu.memref_squeeze %dma_start3A_156 : memref<1x128xi32, #tpu.memory_space<vmem>> -> memref<128xi32, #tpu.memory_space<vmem>>
      %dma_start3A_158 = arith.constant 0 : i32
      %dma_start3A_159 = tpu.memref_slice %arg21[%dma_start3A_158] : memref<10240xf32, #tpu.memory_space<vmem_shared>> -> memref<10240xf32, #tpu.memory_space<vmem_shared>>
      tpu.enqueue_indirect_dma source(%dma_start3A_154 : memref<128xf32, #tpu.memory_space<vmem>>) target(%dma_start3A_159 : memref<10240xf32, #tpu.memory_space<vmem_shared>>) offsets(%dma_start3A_157 : memref<128xi32, #tpu.memory_space<vmem>>) semaphore(%arg25 : memref<!tpu.dma_semaphore, #tpu.memory_space<semaphore_mem>>) {add = true}
      %dma_start3A_160 = arith.constant 0 : i32
      %dma_start3A_161 = tpu.memref_slice %arg7[%add3A_143, %dma_start3A_160] : memref<157x128xi32, #tpu.memory_space<vmem>> -> memref<1x128xi32, #tpu.memory_space<vmem>>
      %dma_start3A_162 = tpu.memref_squeeze %dma_start3A_161 : memref<1x128xi32, #tpu.memory_space<vmem>> -> memref<128xi32, #tpu.memory_space<vmem>>
      %dma_start3A_163 = arith.constant 0 : i32
      %dma_start3A_164 = tpu.memref_slice %arg22[%dma_start3A_163] : memref<10240xf32, #tpu.memory_space<vmem_shared>> -> memref<10240xf32, #tpu.memory_space<vmem_shared>>
      tpu.enqueue_indirect_dma source(%arg10 : memref<128xf32, #tpu.memory_space<vmem>>) target(%dma_start3A_164 : memref<10240xf32, #tpu.memory_space<vmem_shared>>) offsets(%dma_start3A_162 : memref<128xi32, #tpu.memory_space<vmem>>) semaphore(%arg25 : memref<!tpu.dma_semaphore, #tpu.memory_space<semaphore_mem>>) {add = true}
      %mul3A_165 = arith.constant 5 : i32
      %mul3A_166 = arith.muli %scan3A_139, %mul3A_165 : i32
      %add3A_167 = arith.constant 1 : i32
      %add3A_168 = arith.addi %mul3A_166, %add3A_167 : i32
      %dma_start3A_169 = arith.constant 0 : i32
      %dma_start3A_170 = tpu.memref_slice %arg8[%add3A_168, %dma_start3A_169] : memref<157x128xf32, #tpu.memory_space<vmem>> -> memref<1x128xf32, #tpu.memory_space<vmem>>
      %dma_start3A_171 = tpu.memref_squeeze %dma_start3A_170 : memref<1x128xf32, #tpu.memory_space<vmem>> -> memref<128xf32, #tpu.memory_space<vmem>>
      %dma_start3A_172 = arith.constant 0 : i32
      %dma_start3A_173 = tpu.memref_slice %arg7[%add3A_168, %dma_start3A_172] : memref<157x128xi32, #tpu.memory_space<vmem>> -> memref<1x128xi32, #tpu.memory_space<vmem>>
      %dma_start3A_174 = tpu.memref_squeeze %dma_start3A_173 : memref<1x128xi32, #tpu.memory_space<vmem>> -> memref<128xi32, #tpu.memory_space<vmem>>
      %dma_start3A_175 = arith.constant 0 : i32
      %dma_start3A_176 = tpu.memref_slice %arg20[%dma_start3A_175] : memref<10240xf32, #tpu.memory_space<vmem_shared>> -> memref<10240xf32, #tpu.memory_space<vmem_shared>>
      tpu.enqueue_indirect_dma source(%dma_start3A_171 : memref<128xf32, #tpu.memory_space<vmem>>) target(%dma_start3A_176 : memref<10240xf32, #tpu.memory_space<vmem_shared>>) offsets(%dma_start3A_174 : memref<128xi32, #tpu.memory_space<vmem>>) semaphore(%arg25 : memref<!tpu.dma_semaphore, #tpu.memory_space<semaphore_mem>>) {add = true}
      %dma_start3A_177 = arith.constant 0 : i32
      %dma_start3A_178 = tpu.memref_slice %arg9[%add3A_168, %dma_start3A_177] : memref<157x128xf32, #tpu.memory_space<vmem>> -> memref<1x128xf32, #tpu.memory_space<vmem>>
      %dma_start3A_179 = tpu.memref_squeeze %dma_start3A_178 : memref<1x128xf32, #tpu.memory_space<vmem>> -> memref<128xf32, #tpu.memory_space<vmem>>
      %dma_start3A_180 = arith.constant 0 : i32
      %dma_start3A_181 = tpu.memref_slice %arg7[%add3A_168, %dma_start3A_180] : memref<157x128xi32, #tpu.memory_space<vmem>> -> memref<1x128xi32, #tpu.memory_space<vmem>>
      %dma_start3A_182 = tpu.memref_squeeze %dma_start3A_181 : memref<1x128xi32, #tpu.memory_space<vmem>> -> memref<128xi32, #tpu.memory_space<vmem>>
      %dma_start3A_183 = arith.constant 0 : i32
      %dma_start3A_184 = tpu.memref_slice %arg21[%dma_start3A_183] : memref<10240xf32, #tpu.memory_space<vmem_shared>> -> memref<10240xf32, #tpu.memory_space<vmem_shared>>
      tpu.enqueue_indirect_dma source(%dma_start3A_179 : memref<128xf32, #tpu.memory_space<vmem>>) target(%dma_start3A_184 : memref<10240xf32, #tpu.memory_space<vmem_shared>>) offsets(%dma_start3A_182 : memref<128xi32, #tpu.memory_space<vmem>>) semaphore(%arg25 : memref<!tpu.dma_semaphore, #tpu.memory_space<semaphore_mem>>) {add = true}
      %dma_start3A_185 = arith.constant 0 : i32
      %dma_start3A_186 = tpu.memref_slice %arg7[%add3A_168, %dma_start3A_185] : memref<157x128xi32, #tpu.memory_space<vmem>> -> memref<1x128xi32, #tpu.memory_space<vmem>>
      %dma_start3A_187 = tpu.memref_squeeze %dma_start3A_186 : memref<1x128xi32, #tpu.memory_space<vmem>> -> memref<128xi32, #tpu.memory_space<vmem>>
      %dma_start3A_188 = arith.constant 0 : i32
      %dma_start3A_189 = tpu.memref_slice %arg22[%dma_start3A_188] : memref<10240xf32, #tpu.memory_space<vmem_shared>> -> memref<10240xf32, #tpu.memory_space<vmem_shared>>
      tpu.enqueue_indirect_dma source(%arg10 : memref<128xf32, #tpu.memory_space<vmem>>) target(%dma_start3A_189 : memref<10240xf32, #tpu.memory_space<vmem_shared>>) offsets(%dma_start3A_187 : memref<128xi32, #tpu.memory_space<vmem>>) semaphore(%arg25 : memref<!tpu.dma_semaphore, #tpu.memory_space<semaphore_mem>>) {add = true}
      %mul3A_190 = arith.constant 5 : i32
      %mul3A_191 = arith.muli %scan3A_139, %mul3A_190 : i32
      %add3A_192 = arith.constant 2 : i32
      %add3A_193 = arith.addi %mul3A_191, %add3A_192 : i32
      %dma_start3A_194 = arith.constant 0 : i32
      %dma_start3A_195 = tpu.memref_slice %arg8[%add3A_193, %dma_start3A_194] : memref<157x128xf32, #tpu.memory_space<vmem>> -> memref<1x128xf32, #tpu.memory_space<vmem>>
      %dma_start3A_196 = tpu.memref_squeeze %dma_start3A_195 : memref<1x128xf32, #tpu.memory_space<vmem>> -> memref<128xf32, #tpu.memory_space<vmem>>
      %dma_start3A_197 = arith.constant 0 : i32
      %dma_start3A_198 = tpu.memref_slice %arg7[%add3A_193, %dma_start3A_197] : memref<157x128xi32, #tpu.memory_space<vmem>> -> memref<1x128xi32, #tpu.memory_space<vmem>>
      %dma_start3A_199 = tpu.memref_squeeze %dma_start3A_198 : memref<1x128xi32, #tpu.memory_space<vmem>> -> memref<128xi32, #tpu.memory_space<vmem>>
      %dma_start3A_200 = arith.constant 0 : i32
      %dma_start3A_201 = tpu.memref_slice %arg20[%dma_start3A_200] : memref<10240xf32, #tpu.memory_space<vmem_shared>> -> memref<10240xf32, #tpu.memory_space<vmem_shared>>
      tpu.enqueue_indirect_dma source(%dma_start3A_196 : memref<128xf32, #tpu.memory_space<vmem>>) target(%dma_start3A_201 : memref<10240xf32, #tpu.memory_space<vmem_shared>>) offsets(%dma_start3A_199 : memref<128xi32, #tpu.memory_space<vmem>>) semaphore(%arg25 : memref<!tpu.dma_semaphore, #tpu.memory_space<semaphore_mem>>) {add = true}
      %dma_start3A_202 = arith.constant 0 : i32
      %dma_start3A_203 = tpu.memref_slice %arg9[%add3A_193, %dma_start3A_202] : memref<157x128xf32, #tpu.memory_space<vmem>> -> memref<1x128xf32, #tpu.memory_space<vmem>>
      %dma_start3A_204 = tpu.memref_squeeze %dma_start3A_203 : memref<1x128xf32, #tpu.memory_space<vmem>> -> memref<128xf32, #tpu.memory_space<vmem>>
      %dma_start3A_205 = arith.constant 0 : i32
      %dma_start3A_206 = tpu.memref_slice %arg7[%add3A_193, %dma_start3A_205] : memref<157x128xi32, #tpu.memory_space<vmem>> -> memref<1x128xi32, #tpu.memory_space<vmem>>
      %dma_start3A_207 = tpu.memref_squeeze %dma_start3A_206 : memref<1x128xi32, #tpu.memory_space<vmem>> -> memref<128xi32, #tpu.memory_space<vmem>>
      %dma_start3A_208 = arith.constant 0 : i32
      %dma_start3A_209 = tpu.memref_slice %arg21[%dma_start3A_208] : memref<10240xf32, #tpu.memory_space<vmem_shared>> -> memref<10240xf32, #tpu.memory_space<vmem_shared>>
      tpu.enqueue_indirect_dma source(%dma_start3A_204 : memref<128xf32, #tpu.memory_space<vmem>>) target(%dma_start3A_209 : memref<10240xf32, #tpu.memory_space<vmem_shared>>) offsets(%dma_start3A_207 : memref<128xi32, #tpu.memory_space<vmem>>) semaphore(%arg25 : memref<!tpu.dma_semaphore, #tpu.memory_space<semaphore_mem>>) {add = true}
      %dma_start3A_210 = arith.constant 0 : i32
      %dma_start3A_211 = tpu.memref_slice %arg7[%add3A_193, %dma_start3A_210] : memref<157x128xi32, #tpu.memory_space<vmem>> -> memref<1x128xi32, #tpu.memory_space<vmem>>
      %dma_start3A_212 = tpu.memref_squeeze %dma_start3A_211 : memref<1x128xi32, #tpu.memory_space<vmem>> -> memref<128xi32, #tpu.memory_space<vmem>>
      %dma_start3A_213 = arith.constant 0 : i32
      %dma_start3A_214 = tpu.memref_slice %arg22[%dma_start3A_213] : memref<10240xf32, #tpu.memory_space<vmem_shared>> -> memref<10240xf32, #tpu.memory_space<vmem_shared>>
      tpu.enqueue_indirect_dma source(%arg10 : memref<128xf32, #tpu.memory_space<vmem>>) target(%dma_start3A_214 : memref<10240xf32, #tpu.memory_space<vmem_shared>>) offsets(%dma_start3A_212 : memref<128xi32, #tpu.memory_space<vmem>>) semaphore(%arg25 : memref<!tpu.dma_semaphore, #tpu.memory_space<semaphore_mem>>) {add = true}
      %mul3A_215 = arith.constant 5 : i32
      %mul3A_216 = arith.muli %scan3A_139, %mul3A_215 : i32
      %add3A_217 = arith.constant 3 : i32
      %add3A_218 = arith.addi %mul3A_216, %add3A_217 : i32
      %dma_start3A_219 = arith.constant 0 : i32
      %dma_start3A_220 = tpu.memref_slice %arg8[%add3A_218, %dma_start3A_219] : memref<157x128xf32, #tpu.memory_space<vmem>> -> memref<1x128xf32, #tpu.memory_space<vmem>>
      %dma_start3A_221 = tpu.memref_squeeze %dma_start3A_220 : memref<1x128xf32, #tpu.memory_space<vmem>> -> memref<128xf32, #tpu.memory_space<vmem>>
      %dma_start3A_222 = arith.constant 0 : i32
      %dma_start3A_223 = tpu.memref_slice %arg7[%add3A_218, %dma_start3A_222] : memref<157x128xi32, #tpu.memory_space<vmem>> -> memref<1x128xi32, #tpu.memory_space<vmem>>
      %dma_start3A_224 = tpu.memref_squeeze %dma_start3A_223 : memref<1x128xi32, #tpu.memory_space<vmem>> -> memref<128xi32, #tpu.memory_space<vmem>>
      %dma_start3A_225 = arith.constant 0 : i32
      %dma_start3A_226 = tpu.memref_slice %arg20[%dma_start3A_225] : memref<10240xf32, #tpu.memory_space<vmem_shared>> -> memref<10240xf32, #tpu.memory_space<vmem_shared>>
      tpu.enqueue_indirect_dma source(%dma_start3A_221 : memref<128xf32, #tpu.memory_space<vmem>>) target(%dma_start3A_226 : memref<10240xf32, #tpu.memory_space<vmem_shared>>) offsets(%dma_start3A_224 : memref<128xi32, #tpu.memory_space<vmem>>) semaphore(%arg25 : memref<!tpu.dma_semaphore, #tpu.memory_space<semaphore_mem>>) {add = true}
      %dma_start3A_227 = arith.constant 0 : i32
      %dma_start3A_228 = tpu.memref_slice %arg9[%add3A_218, %dma_start3A_227] : memref<157x128xf32, #tpu.memory_space<vmem>> -> memref<1x128xf32, #tpu.memory_space<vmem>>
      %dma_start3A_229 = tpu.memref_squeeze %dma_start3A_228 : memref<1x128xf32, #tpu.memory_space<vmem>> -> memref<128xf32, #tpu.memory_space<vmem>>
      %dma_start3A_230 = arith.constant 0 : i32
      %dma_start3A_231 = tpu.memref_slice %arg7[%add3A_218, %dma_start3A_230] : memref<157x128xi32, #tpu.memory_space<vmem>> -> memref<1x128xi32, #tpu.memory_space<vmem>>
      %dma_start3A_232 = tpu.memref_squeeze %dma_start3A_231 : memref<1x128xi32, #tpu.memory_space<vmem>> -> memref<128xi32, #tpu.memory_space<vmem>>
      %dma_start3A_233 = arith.constant 0 : i32
      %dma_start3A_234 = tpu.memref_slice %arg21[%dma_start3A_233] : memref<10240xf32, #tpu.memory_space<vmem_shared>> -> memref<10240xf32, #tpu.memory_space<vmem_shared>>
      tpu.enqueue_indirect_dma source(%dma_start3A_229 : memref<128xf32, #tpu.memory_space<vmem>>) target(%dma_start3A_234 : memref<10240xf32, #tpu.memory_space<vmem_shared>>) offsets(%dma_start3A_232 : memref<128xi32, #tpu.memory_space<vmem>>) semaphore(%arg25 : memref<!tpu.dma_semaphore, #tpu.memory_space<semaphore_mem>>) {add = true}
      %dma_start3A_235 = arith.constant 0 : i32
      %dma_start3A_236 = tpu.memref_slice %arg7[%add3A_218, %dma_start3A_235] : memref<157x128xi32, #tpu.memory_space<vmem>> -> memref<1x128xi32, #tpu.memory_space<vmem>>
      %dma_start3A_237 = tpu.memref_squeeze %dma_start3A_236 : memref<1x128xi32, #tpu.memory_space<vmem>> -> memref<128xi32, #tpu.memory_space<vmem>>
      %dma_start3A_238 = arith.constant 0 : i32
      %dma_start3A_239 = tpu.memref_slice %arg22[%dma_start3A_238] : memref<10240xf32, #tpu.memory_space<vmem_shared>> -> memref<10240xf32, #tpu.memory_space<vmem_shared>>
      tpu.enqueue_indirect_dma source(%arg10 : memref<128xf32, #tpu.memory_space<vmem>>) target(%dma_start3A_239 : memref<10240xf32, #tpu.memory_space<vmem_shared>>) offsets(%dma_start3A_237 : memref<128xi32, #tpu.memory_space<vmem>>) semaphore(%arg25 : memref<!tpu.dma_semaphore, #tpu.memory_space<semaphore_mem>>) {add = true}
      %mul3A_240 = arith.constant 5 : i32
      %mul3A_241 = arith.muli %scan3A_139, %mul3A_240 : i32
      %add3A_242 = arith.constant 4 : i32
      %add3A_243 = arith.addi %mul3A_241, %add3A_242 : i32
      %dma_start3A_244 = arith.constant 0 : i32
      %dma_start3A_245 = tpu.memref_slice %arg8[%add3A_243, %dma_start3A_244] : memref<157x128xf32, #tpu.memory_space<vmem>> -> memref<1x128xf32, #tpu.memory_space<vmem>>
      %dma_start3A_246 = tpu.memref_squeeze %dma_start3A_245 : memref<1x128xf32, #tpu.memory_space<vmem>> -> memref<128xf32, #tpu.memory_space<vmem>>
      %dma_start3A_247 = arith.constant 0 : i32
      %dma_start3A_248 = tpu.memref_slice %arg7[%add3A_243, %dma_start3A_247] : memref<157x128xi32, #tpu.memory_space<vmem>> -> memref<1x128xi32, #tpu.memory_space<vmem>>
      %dma_start3A_249 = tpu.memref_squeeze %dma_start3A_248 : memref<1x128xi32, #tpu.memory_space<vmem>> -> memref<128xi32, #tpu.memory_space<vmem>>
      %dma_start3A_250 = arith.constant 0 : i32
      %dma_start3A_251 = tpu.memref_slice %arg20[%dma_start3A_250] : memref<10240xf32, #tpu.memory_space<vmem_shared>> -> memref<10240xf32, #tpu.memory_space<vmem_shared>>
      tpu.enqueue_indirect_dma source(%dma_start3A_246 : memref<128xf32, #tpu.memory_space<vmem>>) target(%dma_start3A_251 : memref<10240xf32, #tpu.memory_space<vmem_shared>>) offsets(%dma_start3A_249 : memref<128xi32, #tpu.memory_space<vmem>>) semaphore(%arg25 : memref<!tpu.dma_semaphore, #tpu.memory_space<semaphore_mem>>) {add = true}
      %dma_start3A_252 = arith.constant 0 : i32
      %dma_start3A_253 = tpu.memref_slice %arg9[%add3A_243, %dma_start3A_252] : memref<157x128xf32, #tpu.memory_space<vmem>> -> memref<1x128xf32, #tpu.memory_space<vmem>>
      %dma_start3A_254 = tpu.memref_squeeze %dma_start3A_253 : memref<1x128xf32, #tpu.memory_space<vmem>> -> memref<128xf32, #tpu.memory_space<vmem>>
      %dma_start3A_255 = arith.constant 0 : i32
      %dma_start3A_256 = tpu.memref_slice %arg7[%add3A_243, %dma_start3A_255] : memref<157x128xi32, #tpu.memory_space<vmem>> -> memref<1x128xi32, #tpu.memory_space<vmem>>
      %dma_start3A_257 = tpu.memref_squeeze %dma_start3A_256 : memref<1x128xi32, #tpu.memory_space<vmem>> -> memref<128xi32, #tpu.memory_space<vmem>>
      %dma_start3A_258 = arith.constant 0 : i32
      %dma_start3A_259 = tpu.memref_slice %arg21[%dma_start3A_258] : memref<10240xf32, #tpu.memory_space<vmem_shared>> -> memref<10240xf32, #tpu.memory_space<vmem_shared>>
      tpu.enqueue_indirect_dma source(%dma_start3A_254 : memref<128xf32, #tpu.memory_space<vmem>>) target(%dma_start3A_259 : memref<10240xf32, #tpu.memory_space<vmem_shared>>) offsets(%dma_start3A_257 : memref<128xi32, #tpu.memory_space<vmem>>) semaphore(%arg25 : memref<!tpu.dma_semaphore, #tpu.memory_space<semaphore_mem>>) {add = true}
      %dma_start3A_260 = arith.constant 0 : i32
      %dma_start3A_261 = tpu.memref_slice %arg7[%add3A_243, %dma_start3A_260] : memref<157x128xi32, #tpu.memory_space<vmem>> -> memref<1x128xi32, #tpu.memory_space<vmem>>
      %dma_start3A_262 = tpu.memref_squeeze %dma_start3A_261 : memref<1x128xi32, #tpu.memory_space<vmem>> -> memref<128xi32, #tpu.memory_space<vmem>>
      %dma_start3A_263 = arith.constant 0 : i32
      %dma_start3A_264 = tpu.memref_slice %arg22[%dma_start3A_263] : memref<10240xf32, #tpu.memory_space<vmem_shared>> -> memref<10240xf32, #tpu.memory_space<vmem_shared>>
      tpu.enqueue_indirect_dma source(%arg10 : memref<128xf32, #tpu.memory_space<vmem>>) target(%dma_start3A_264 : memref<10240xf32, #tpu.memory_space<vmem_shared>>) offsets(%dma_start3A_262 : memref<128xi32, #tpu.memory_space<vmem>>) semaphore(%arg25 : memref<!tpu.dma_semaphore, #tpu.memory_space<semaphore_mem>>) {add = true}
      %dma_wait3A_265 = arith.constant 0 : i32
      %dma_wait3A_266 = tpu.memref_slice %arg8[%add3A_143, %dma_wait3A_265] : memref<157x128xf32, #tpu.memory_space<vmem>> -> memref<1x128xf32, #tpu.memory_space<vmem>>
      %dma_wait3A_267 = tpu.memref_squeeze %dma_wait3A_266 : memref<1x128xf32, #tpu.memory_space<vmem>> -> memref<128xf32, #tpu.memory_space<vmem>>
      %dma_wait3A_268 = arith.constant 0 : i32
      %dma_wait3A_269 = tpu.memref_slice %arg7[%add3A_143, %dma_wait3A_268] : memref<157x128xi32, #tpu.memory_space<vmem>> -> memref<1x128xi32, #tpu.memory_space<vmem>>
      %dma_wait3A_270 = tpu.memref_squeeze %dma_wait3A_269 : memref<1x128xi32, #tpu.memory_space<vmem>> -> memref<128xi32, #tpu.memory_space<vmem>>
      %dma_wait3A_271 = arith.constant 0 : i32
      %dma_wait3A_272 = tpu.memref_slice %arg20[%dma_wait3A_271] : memref<10240xf32, #tpu.memory_space<vmem_shared>> -> memref<10240xf32, #tpu.memory_space<vmem_shared>>
      tpu.wait_indirect_dma semaphore(%arg25 : memref<!tpu.dma_semaphore, #tpu.memory_space<semaphore_mem>>) src(%dma_wait3A_267 : memref<128xf32, #tpu.memory_space<vmem>>) dst(%dma_wait3A_272 : memref<10240xf32, #tpu.memory_space<vmem_shared>>)
      %dma_wait3A_273 = arith.constant 0 : i32
      %dma_wait3A_274 = tpu.memref_slice %arg9[%add3A_143, %dma_wait3A_273] : memref<157x128xf32, #tpu.memory_space<vmem>> -> memref<1x128xf32, #tpu.memory_space<vmem>>
      %dma_wait3A_275 = tpu.memref_squeeze %dma_wait3A_274 : memref<1x128xf32, #tpu.memory_space<vmem>> -> memref<128xf32, #tpu.memory_space<vmem>>
      %dma_wait3A_276 = arith.constant 0 : i32
      %dma_wait3A_277 = tpu.memref_slice %arg7[%add3A_143, %dma_wait3A_276] : memref<157x128xi32, #tpu.memory_space<vmem>> -> memref<1x128xi32, #tpu.memory_space<vmem>>
      %dma_wait3A_278 = tpu.memref_squeeze %dma_wait3A_277 : memref<1x128xi32, #tpu.memory_space<vmem>> -> memref<128xi32, #tpu.memory_space<vmem>>
      %dma_wait3A_279 = arith.constant 0 : i32
      %dma_wait3A_280 = tpu.memref_slice %arg21[%dma_wait3A_279] : memref<10240xf32, #tpu.memory_space<vmem_shared>> -> memref<10240xf32, #tpu.memory_space<vmem_shared>>
      tpu.wait_indirect_dma semaphore(%arg25 : memref<!tpu.dma_semaphore, #tpu.memory_space<semaphore_mem>>) src(%dma_wait3A_275 : memref<128xf32, #tpu.memory_space<vmem>>) dst(%dma_wait3A_280 : memref<10240xf32, #tpu.memory_space<vmem_shared>>)
      %dma_wait3A_281 = arith.constant 0 : i32
      %dma_wait3A_282 = tpu.memref_slice %arg7[%add3A_143, %dma_wait3A_281] : memref<157x128xi32, #tpu.memory_space<vmem>> -> memref<1x128xi32, #tpu.memory_space<vmem>>
      %dma_wait3A_283 = tpu.memref_squeeze %dma_wait3A_282 : memref<1x128xi32, #tpu.memory_space<vmem>> -> memref<128xi32, #tpu.memory_space<vmem>>
      %dma_wait3A_284 = arith.constant 0 : i32
      %dma_wait3A_285 = tpu.memref_slice %arg22[%dma_wait3A_284] : memref<10240xf32, #tpu.memory_space<vmem_shared>> -> memref<10240xf32, #tpu.memory_space<vmem_shared>>
      tpu.wait_indirect_dma semaphore(%arg25 : memref<!tpu.dma_semaphore, #tpu.memory_space<semaphore_mem>>) src(%arg10 : memref<128xf32, #tpu.memory_space<vmem>>) dst(%dma_wait3A_285 : memref<10240xf32, #tpu.memory_space<vmem_shared>>)
      %dma_wait3A_286 = arith.constant 0 : i32
      %dma_wait3A_287 = tpu.memref_slice %arg8[%add3A_168, %dma_wait3A_286] : memref<157x128xf32, #tpu.memory_space<vmem>> -> memref<1x128xf32, #tpu.memory_space<vmem>>
      %dma_wait3A_288 = tpu.memref_squeeze %dma_wait3A_287 : memref<1x128xf32, #tpu.memory_space<vmem>> -> memref<128xf32, #tpu.memory_space<vmem>>
      %dma_wait3A_289 = arith.constant 0 : i32
      %dma_wait3A_290 = tpu.memref_slice %arg7[%add3A_168, %dma_wait3A_289] : memref<157x128xi32, #tpu.memory_space<vmem>> -> memref<1x128xi32, #tpu.memory_space<vmem>>
      %dma_wait3A_291 = tpu.memref_squeeze %dma_wait3A_290 : memref<1x128xi32, #tpu.memory_space<vmem>> -> memref<128xi32, #tpu.memory_space<vmem>>
      %dma_wait3A_292 = arith.constant 0 : i32
      %dma_wait3A_293 = tpu.memref_slice %arg20[%dma_wait3A_292] : memref<10240xf32, #tpu.memory_space<vmem_shared>> -> memref<10240xf32, #tpu.memory_space<vmem_shared>>
      tpu.wait_indirect_dma semaphore(%arg25 : memref<!tpu.dma_semaphore, #tpu.memory_space<semaphore_mem>>) src(%dma_wait3A_288 : memref<128xf32, #tpu.memory_space<vmem>>) dst(%dma_wait3A_293 : memref<10240xf32, #tpu.memory_space<vmem_shared>>)
      %dma_wait3A_294 = arith.constant 0 : i32
      %dma_wait3A_295 = tpu.memref_slice %arg9[%add3A_168, %dma_wait3A_294] : memref<157x128xf32, #tpu.memory_space<vmem>> -> memref<1x128xf32, #tpu.memory_space<vmem>>
      %dma_wait3A_296 = tpu.memref_squeeze %dma_wait3A_295 : memref<1x128xf32, #tpu.memory_space<vmem>> -> memref<128xf32, #tpu.memory_space<vmem>>
      %dma_wait3A_297 = arith.constant 0 : i32
      %dma_wait3A_298 = tpu.memref_slice %arg7[%add3A_168, %dma_wait3A_297] : memref<157x128xi32, #tpu.memory_space<vmem>> -> memref<1x128xi32, #tpu.memory_space<vmem>>
      %dma_wait3A_299 = tpu.memref_squeeze %dma_wait3A_298 : memref<1x128xi32, #tpu.memory_space<vmem>> -> memref<128xi32, #tpu.memory_space<vmem>>
      %dma_wait3A_300 = arith.constant 0 : i32
      %dma_wait3A_301 = tpu.memref_slice %arg21[%dma_wait3A_300] : memref<10240xf32, #tpu.memory_space<vmem_shared>> -> memref<10240xf32, #tpu.memory_space<vmem_shared>>
      tpu.wait_indirect_dma semaphore(%arg25 : memref<!tpu.dma_semaphore, #tpu.memory_space<semaphore_mem>>) src(%dma_wait3A_296 : memref<128xf32, #tpu.memory_space<vmem>>) dst(%dma_wait3A_301 : memref<10240xf32, #tpu.memory_space<vmem_shared>>)
      %dma_wait3A_302 = arith.constant 0 : i32
      %dma_wait3A_303 = tpu.memref_slice %arg7[%add3A_168, %dma_wait3A_302] : memref<157x128xi32, #tpu.memory_space<vmem>> -> memref<1x128xi32, #tpu.memory_space<vmem>>
      %dma_wait3A_304 = tpu.memref_squeeze %dma_wait3A_303 : memref<1x128xi32, #tpu.memory_space<vmem>> -> memref<128xi32, #tpu.memory_space<vmem>>
      %dma_wait3A_305 = arith.constant 0 : i32
      %dma_wait3A_306 = tpu.memref_slice %arg22[%dma_wait3A_305] : memref<10240xf32, #tpu.memory_space<vmem_shared>> -> memref<10240xf32, #tpu.memory_space<vmem_shared>>
      tpu.wait_indirect_dma semaphore(%arg25 : memref<!tpu.dma_semaphore, #tpu.memory_space<semaphore_mem>>) src(%arg10 : memref<128xf32, #tpu.memory_space<vmem>>) dst(%dma_wait3A_306 : memref<10240xf32, #tpu.memory_space<vmem_shared>>)
      %dma_wait3A_307 = arith.constant 0 : i32
      %dma_wait3A_308 = tpu.memref_slice %arg8[%add3A_193, %dma_wait3A_307] : memref<157x128xf32, #tpu.memory_space<vmem>> -> memref<1x128xf32, #tpu.memory_space<vmem>>
      %dma_wait3A_309 = tpu.memref_squeeze %dma_wait3A_308 : memref<1x128xf32, #tpu.memory_space<vmem>> -> memref<128xf32, #tpu.memory_space<vmem>>
      %dma_wait3A_310 = arith.constant 0 : i32
      %dma_wait3A_311 = tpu.memref_slice %arg7[%add3A_193, %dma_wait3A_310] : memref<157x128xi32, #tpu.memory_space<vmem>> -> memref<1x128xi32, #tpu.memory_space<vmem>>
      %dma_wait3A_312 = tpu.memref_squeeze %dma_wait3A_311 : memref<1x128xi32, #tpu.memory_space<vmem>> -> memref<128xi32, #tpu.memory_space<vmem>>
      %dma_wait3A_313 = arith.constant 0 : i32
      %dma_wait3A_314 = tpu.memref_slice %arg20[%dma_wait3A_313] : memref<10240xf32, #tpu.memory_space<vmem_shared>> -> memref<10240xf32, #tpu.memory_space<vmem_shared>>
      tpu.wait_indirect_dma semaphore(%arg25 : memref<!tpu.dma_semaphore, #tpu.memory_space<semaphore_mem>>) src(%dma_wait3A_309 : memref<128xf32, #tpu.memory_space<vmem>>) dst(%dma_wait3A_314 : memref<10240xf32, #tpu.memory_space<vmem_shared>>)
      %dma_wait3A_315 = arith.constant 0 : i32
      %dma_wait3A_316 = tpu.memref_slice %arg9[%add3A_193, %dma_wait3A_315] : memref<157x128xf32, #tpu.memory_space<vmem>> -> memref<1x128xf32, #tpu.memory_space<vmem>>
      %dma_wait3A_317 = tpu.memref_squeeze %dma_wait3A_316 : memref<1x128xf32, #tpu.memory_space<vmem>> -> memref<128xf32, #tpu.memory_space<vmem>>
      %dma_wait3A_318 = arith.constant 0 : i32
      %dma_wait3A_319 = tpu.memref_slice %arg7[%add3A_193, %dma_wait3A_318] : memref<157x128xi32, #tpu.memory_space<vmem>> -> memref<1x128xi32, #tpu.memory_space<vmem>>
      %dma_wait3A_320 = tpu.memref_squeeze %dma_wait3A_319 : memref<1x128xi32, #tpu.memory_space<vmem>> -> memref<128xi32, #tpu.memory_space<vmem>>
      %dma_wait3A_321 = arith.constant 0 : i32
      %dma_wait3A_322 = tpu.memref_slice %arg21[%dma_wait3A_321] : memref<10240xf32, #tpu.memory_space<vmem_shared>> -> memref<10240xf32, #tpu.memory_space<vmem_shared>>
      tpu.wait_indirect_dma semaphore(%arg25 : memref<!tpu.dma_semaphore, #tpu.memory_space<semaphore_mem>>) src(%dma_wait3A_317 : memref<128xf32, #tpu.memory_space<vmem>>) dst(%dma_wait3A_322 : memref<10240xf32, #tpu.memory_space<vmem_shared>>)
      %dma_wait3A_323 = arith.constant 0 : i32
      %dma_wait3A_324 = tpu.memref_slice %arg7[%add3A_193, %dma_wait3A_323] : memref<157x128xi32, #tpu.memory_space<vmem>> -> memref<1x128xi32, #tpu.memory_space<vmem>>
      %dma_wait3A_325 = tpu.memref_squeeze %dma_wait3A_324 : memref<1x128xi32, #tpu.memory_space<vmem>> -> memref<128xi32, #tpu.memory_space<vmem>>
      %dma_wait3A_326 = arith.constant 0 : i32
      %dma_wait3A_327 = tpu.memref_slice %arg22[%dma_wait3A_326] : memref<10240xf32, #tpu.memory_space<vmem_shared>> -> memref<10240xf32, #tpu.memory_space<vmem_shared>>
      tpu.wait_indirect_dma semaphore(%arg25 : memref<!tpu.dma_semaphore, #tpu.memory_space<semaphore_mem>>) src(%arg10 : memref<128xf32, #tpu.memory_space<vmem>>) dst(%dma_wait3A_327 : memref<10240xf32, #tpu.memory_space<vmem_shared>>)
      %dma_wait3A_328 = arith.constant 0 : i32
      %dma_wait3A_329 = tpu.memref_slice %arg8[%add3A_218, %dma_wait3A_328] : memref<157x128xf32, #tpu.memory_space<vmem>> -> memref<1x128xf32, #tpu.memory_space<vmem>>
      %dma_wait3A_330 = tpu.memref_squeeze %dma_wait3A_329 : memref<1x128xf32, #tpu.memory_space<vmem>> -> memref<128xf32, #tpu.memory_space<vmem>>
      %dma_wait3A_331 = arith.constant 0 : i32
      %dma_wait3A_332 = tpu.memref_slice %arg7[%add3A_218, %dma_wait3A_331] : memref<157x128xi32, #tpu.memory_space<vmem>> -> memref<1x128xi32, #tpu.memory_space<vmem>>
      %dma_wait3A_333 = tpu.memref_squeeze %dma_wait3A_332 : memref<1x128xi32, #tpu.memory_space<vmem>> -> memref<128xi32, #tpu.memory_space<vmem>>
      %dma_wait3A_334 = arith.constant 0 : i32
      %dma_wait3A_335 = tpu.memref_slice %arg20[%dma_wait3A_334] : memref<10240xf32, #tpu.memory_space<vmem_shared>> -> memref<10240xf32, #tpu.memory_space<vmem_shared>>
      tpu.wait_indirect_dma semaphore(%arg25 : memref<!tpu.dma_semaphore, #tpu.memory_space<semaphore_mem>>) src(%dma_wait3A_330 : memref<128xf32, #tpu.memory_space<vmem>>) dst(%dma_wait3A_335 : memref<10240xf32, #tpu.memory_space<vmem_shared>>)
      %dma_wait3A_336 = arith.constant 0 : i32
      %dma_wait3A_337 = tpu.memref_slice %arg9[%add3A_218, %dma_wait3A_336] : memref<157x128xf32, #tpu.memory_space<vmem>> -> memref<1x128xf32, #tpu.memory_space<vmem>>
      %dma_wait3A_338 = tpu.memref_squeeze %dma_wait3A_337 : memref<1x128xf32, #tpu.memory_space<vmem>> -> memref<128xf32, #tpu.memory_space<vmem>>
      %dma_wait3A_339 = arith.constant 0 : i32
      %dma_wait3A_340 = tpu.memref_slice %arg7[%add3A_218, %dma_wait3A_339] : memref<157x128xi32, #tpu.memory_space<vmem>> -> memref<1x128xi32, #tpu.memory_space<vmem>>
      %dma_wait3A_341 = tpu.memref_squeeze %dma_wait3A_340 : memref<1x128xi32, #tpu.memory_space<vmem>> -> memref<128xi32, #tpu.memory_space<vmem>>
      %dma_wait3A_342 = arith.constant 0 : i32
      %dma_wait3A_343 = tpu.memref_slice %arg21[%dma_wait3A_342] : memref<10240xf32, #tpu.memory_space<vmem_shared>> -> memref<10240xf32, #tpu.memory_space<vmem_shared>>
      tpu.wait_indirect_dma semaphore(%arg25 : memref<!tpu.dma_semaphore, #tpu.memory_space<semaphore_mem>>) src(%dma_wait3A_338 : memref<128xf32, #tpu.memory_space<vmem>>) dst(%dma_wait3A_343 : memref<10240xf32, #tpu.memory_space<vmem_shared>>)
      %dma_wait3A_344 = arith.constant 0 : i32
      %dma_wait3A_345 = tpu.memref_slice %arg7[%add3A_218, %dma_wait3A_344] : memref<157x128xi32, #tpu.memory_space<vmem>> -> memref<1x128xi32, #tpu.memory_space<vmem>>
      %dma_wait3A_346 = tpu.memref_squeeze %dma_wait3A_345 : memref<1x128xi32, #tpu.memory_space<vmem>> -> memref<128xi32, #tpu.memory_space<vmem>>
      %dma_wait3A_347 = arith.constant 0 : i32
      %dma_wait3A_348 = tpu.memref_slice %arg22[%dma_wait3A_347] : memref<10240xf32, #tpu.memory_space<vmem_shared>> -> memref<10240xf32, #tpu.memory_space<vmem_shared>>
      tpu.wait_indirect_dma semaphore(%arg25 : memref<!tpu.dma_semaphore, #tpu.memory_space<semaphore_mem>>) src(%arg10 : memref<128xf32, #tpu.memory_space<vmem>>) dst(%dma_wait3A_348 : memref<10240xf32, #tpu.memory_space<vmem_shared>>)
      %dma_wait3A_349 = arith.constant 0 : i32
      %dma_wait3A_350 = tpu.memref_slice %arg8[%add3A_243, %dma_wait3A_349] : memref<157x128xf32, #tpu.memory_space<vmem>> -> memref<1x128xf32, #tpu.memory_space<vmem>>
      %dma_wait3A_351 = tpu.memref_squeeze %dma_wait3A_350 : memref<1x128xf32, #tpu.memory_space<vmem>> -> memref<128xf32, #tpu.memory_space<vmem>>
      %dma_wait3A_352 = arith.constant 0 : i32
      %dma_wait3A_353 = tpu.memref_slice %arg7[%add3A_243, %dma_wait3A_352] : memref<157x128xi32, #tpu.memory_space<vmem>> -> memref<1x128xi32, #tpu.memory_space<vmem>>
      %dma_wait3A_354 = tpu.memref_squeeze %dma_wait3A_353 : memref<1x128xi32, #tpu.memory_space<vmem>> -> memref<128xi32, #tpu.memory_space<vmem>>
      %dma_wait3A_355 = arith.constant 0 : i32
      %dma_wait3A_356 = tpu.memref_slice %arg20[%dma_wait3A_355] : memref<10240xf32, #tpu.memory_space<vmem_shared>> -> memref<10240xf32, #tpu.memory_space<vmem_shared>>
      tpu.wait_indirect_dma semaphore(%arg25 : memref<!tpu.dma_semaphore, #tpu.memory_space<semaphore_mem>>) src(%dma_wait3A_351 : memref<128xf32, #tpu.memory_space<vmem>>) dst(%dma_wait3A_356 : memref<10240xf32, #tpu.memory_space<vmem_shared>>)
      %dma_wait3A_357 = arith.constant 0 : i32
      %dma_wait3A_358 = tpu.memref_slice %arg9[%add3A_243, %dma_wait3A_357] : memref<157x128xf32, #tpu.memory_space<vmem>> -> memref<1x128xf32, #tpu.memory_space<vmem>>
      %dma_wait3A_359 = tpu.memref_squeeze %dma_wait3A_358 : memref<1x128xf32, #tpu.memory_space<vmem>> -> memref<128xf32, #tpu.memory_space<vmem>>
      %dma_wait3A_360 = arith.constant 0 : i32
      %dma_wait3A_361 = tpu.memref_slice %arg7[%add3A_243, %dma_wait3A_360] : memref<157x128xi32, #tpu.memory_space<vmem>> -> memref<1x128xi32, #tpu.memory_space<vmem>>
      %dma_wait3A_362 = tpu.memref_squeeze %dma_wait3A_361 : memref<1x128xi32, #tpu.memory_space<vmem>> -> memref<128xi32, #tpu.memory_space<vmem>>
      %dma_wait3A_363 = arith.constant 0 : i32
      %dma_wait3A_364 = tpu.memref_slice %arg21[%dma_wait3A_363] : memref<10240xf32, #tpu.memory_space<vmem_shared>> -> memref<10240xf32, #tpu.memory_space<vmem_shared>>
      tpu.wait_indirect_dma semaphore(%arg25 : memref<!tpu.dma_semaphore, #tpu.memory_space<semaphore_mem>>) src(%dma_wait3A_359 : memref<128xf32, #tpu.memory_space<vmem>>) dst(%dma_wait3A_364 : memref<10240xf32, #tpu.memory_space<vmem_shared>>)
      %dma_wait3A_365 = arith.constant 0 : i32
      %dma_wait3A_366 = tpu.memref_slice %arg7[%add3A_243, %dma_wait3A_365] : memref<157x128xi32, #tpu.memory_space<vmem>> -> memref<1x128xi32, #tpu.memory_space<vmem>>
      %dma_wait3A_367 = tpu.memref_squeeze %dma_wait3A_366 : memref<1x128xi32, #tpu.memory_space<vmem>> -> memref<128xi32, #tpu.memory_space<vmem>>
      %dma_wait3A_368 = arith.constant 0 : i32
      %dma_wait3A_369 = tpu.memref_slice %arg22[%dma_wait3A_368] : memref<10240xf32, #tpu.memory_space<vmem_shared>> -> memref<10240xf32, #tpu.memory_space<vmem_shared>>
      tpu.wait_indirect_dma semaphore(%arg25 : memref<!tpu.dma_semaphore, #tpu.memory_space<semaphore_mem>>) src(%arg10 : memref<128xf32, #tpu.memory_space<vmem>>) dst(%dma_wait3A_369 : memref<10240xf32, #tpu.memory_space<vmem_shared>>)
    }
    %scan3A_17 = arith.constant 31 : i32
    %dma_start3A = arith.constant 155 : i32
    %dma_start3A_18 = arith.constant 155 : i32
    %dma_start3A_19 = arith.constant 0 : i32
    %dma_start3A_20 = tpu.memref_slice %arg8[%dma_start3A, %dma_start3A_19] : memref<157x128xf32, #tpu.memory_space<vmem>> -> memref<1x128xf32, #tpu.memory_space<vmem>>
    %dma_start3A_21 = tpu.memref_squeeze %dma_start3A_20 : memref<1x128xf32, #tpu.memory_space<vmem>> -> memref<128xf32, #tpu.memory_space<vmem>>
    %dma_start3A_22 = arith.constant 0 : i32
    %dma_start3A_23 = tpu.memref_slice %arg7[%dma_start3A_18, %dma_start3A_22] : memref<157x128xi32, #tpu.memory_space<vmem>> -> memref<1x128xi32, #tpu.memory_space<vmem>>
    %dma_start3A_24 = tpu.memref_squeeze %dma_start3A_23 : memref<1x128xi32, #tpu.memory_space<vmem>> -> memref<128xi32, #tpu.memory_space<vmem>>
    %dma_start3A_25 = arith.constant 0 : i32
    %dma_start3A_26 = tpu.memref_slice %arg20[%dma_start3A_25] : memref<10240xf32, #tpu.memory_space<vmem_shared>> -> memref<10240xf32, #tpu.memory_space<vmem_shared>>
    tpu.enqueue_indirect_dma source(%dma_start3A_21 : memref<128xf32, #tpu.memory_space<vmem>>) target(%dma_start3A_26 : memref<10240xf32, #tpu.memory_space<vmem_shared>>) offsets(%dma_start3A_24 : memref<128xi32, #tpu.memory_space<vmem>>) semaphore(%arg25 : memref<!tpu.dma_semaphore, #tpu.memory_space<semaphore_mem>>) {add = true}
    %dma_start3A_27 = arith.constant 155 : i32
    %dma_start3A_28 = arith.constant 155 : i32
    %dma_start3A_29 = arith.constant 0 : i32
    %dma_start3A_30 = tpu.memref_slice %arg9[%dma_start3A_27, %dma_start3A_29] : memref<157x128xf32, #tpu.memory_space<vmem>> -> memref<1x128xf32, #tpu.memory_space<vmem>>
    %dma_start3A_31 = tpu.memref_squeeze %dma_start3A_30 : memref<1x128xf32, #tpu.memory_space<vmem>> -> memref<128xf32, #tpu.memory_space<vmem>>
    %dma_start3A_32 = arith.constant 0 : i32
    %dma_start3A_33 = tpu.memref_slice %arg7[%dma_start3A_28, %dma_start3A_32] : memref<157x128xi32, #tpu.memory_space<vmem>> -> memref<1x128xi32, #tpu.memory_space<vmem>>
    %dma_start3A_34 = tpu.memref_squeeze %dma_start3A_33 : memref<1x128xi32, #tpu.memory_space<vmem>> -> memref<128xi32, #tpu.memory_space<vmem>>
    %dma_start3A_35 = arith.constant 0 : i32
    %dma_start3A_36 = tpu.memref_slice %arg21[%dma_start3A_35] : memref<10240xf32, #tpu.memory_space<vmem_shared>> -> memref<10240xf32, #tpu.memory_space<vmem_shared>>
    tpu.enqueue_indirect_dma source(%dma_start3A_31 : memref<128xf32, #tpu.memory_space<vmem>>) target(%dma_start3A_36 : memref<10240xf32, #tpu.memory_space<vmem_shared>>) offsets(%dma_start3A_34 : memref<128xi32, #tpu.memory_space<vmem>>) semaphore(%arg25 : memref<!tpu.dma_semaphore, #tpu.memory_space<semaphore_mem>>) {add = true}
    %dma_start3A_37 = arith.constant 155 : i32
    %dma_start3A_38 = arith.constant 0 : i32
    %dma_start3A_39 = tpu.memref_slice %arg7[%dma_start3A_37, %dma_start3A_38] : memref<157x128xi32, #tpu.memory_space<vmem>> -> memref<1x128xi32, #tpu.memory_space<vmem>>
    %dma_start3A_40 = tpu.memref_squeeze %dma_start3A_39 : memref<1x128xi32, #tpu.memory_space<vmem>> -> memref<128xi32, #tpu.memory_space<vmem>>
    %dma_start3A_41 = arith.constant 0 : i32
    %dma_start3A_42 = tpu.memref_slice %arg22[%dma_start3A_41] : memref<10240xf32, #tpu.memory_space<vmem_shared>> -> memref<10240xf32, #tpu.memory_space<vmem_shared>>
    tpu.enqueue_indirect_dma source(%arg10 : memref<128xf32, #tpu.memory_space<vmem>>) target(%dma_start3A_42 : memref<10240xf32, #tpu.memory_space<vmem_shared>>) offsets(%dma_start3A_40 : memref<128xi32, #tpu.memory_space<vmem>>) semaphore(%arg25 : memref<!tpu.dma_semaphore, #tpu.memory_space<semaphore_mem>>) {add = true}
    %dma_start3A_43 = arith.constant 156 : i32
    %dma_start3A_44 = arith.constant 156 : i32
    %dma_start3A_45 = arith.constant 0 : i32
    %dma_start3A_46 = tpu.memref_slice %arg8[%dma_start3A_43, %dma_start3A_45] : memref<157x128xf32, #tpu.memory_space<vmem>> -> memref<1x128xf32, #tpu.memory_space<vmem>>
    %dma_start3A_47 = tpu.memref_squeeze %dma_start3A_46 : memref<1x128xf32, #tpu.memory_space<vmem>> -> memref<128xf32, #tpu.memory_space<vmem>>
    %dma_start3A_48 = arith.constant 0 : i32
    %dma_start3A_49 = tpu.memref_slice %arg7[%dma_start3A_44, %dma_start3A_48] : memref<157x128xi32, #tpu.memory_space<vmem>> -> memref<1x128xi32, #tpu.memory_space<vmem>>
    %dma_start3A_50 = tpu.memref_squeeze %dma_start3A_49 : memref<1x128xi32, #tpu.memory_space<vmem>> -> memref<128xi32, #tpu.memory_space<vmem>>
    %dma_start3A_51 = arith.constant 0 : i32
    %dma_start3A_52 = tpu.memref_slice %arg20[%dma_start3A_51] : memref<10240xf32, #tpu.memory_space<vmem_shared>> -> memref<10240xf32, #tpu.memory_space<vmem_shared>>
    tpu.enqueue_indirect_dma source(%dma_start3A_47 : memref<128xf32, #tpu.memory_space<vmem>>) target(%dma_start3A_52 : memref<10240xf32, #tpu.memory_space<vmem_shared>>) offsets(%dma_start3A_50 : memref<128xi32, #tpu.memory_space<vmem>>) semaphore(%arg25 : memref<!tpu.dma_semaphore, #tpu.memory_space<semaphore_mem>>) {add = true}
    %dma_start3A_53 = arith.constant 156 : i32
    %dma_start3A_54 = arith.constant 156 : i32
    %dma_start3A_55 = arith.constant 0 : i32
    %dma_start3A_56 = tpu.memref_slice %arg9[%dma_start3A_53, %dma_start3A_55] : memref<157x128xf32, #tpu.memory_space<vmem>> -> memref<1x128xf32, #tpu.memory_space<vmem>>
    %dma_start3A_57 = tpu.memref_squeeze %dma_start3A_56 : memref<1x128xf32, #tpu.memory_space<vmem>> -> memref<128xf32, #tpu.memory_space<vmem>>
    %dma_start3A_58 = arith.constant 0 : i32
    %dma_start3A_59 = tpu.memref_slice %arg7[%dma_start3A_54, %dma_start3A_58] : memref<157x128xi32, #tpu.memory_space<vmem>> -> memref<1x128xi32, #tpu.memory_space<vmem>>
    %dma_start3A_60 = tpu.memref_squeeze %dma_start3A_59 : memref<1x128xi32, #tpu.memory_space<vmem>> -> memref<128xi32, #tpu.memory_space<vmem>>
    %dma_start3A_61 = arith.constant 0 : i32
    %dma_start3A_62 = tpu.memref_slice %arg21[%dma_start3A_61] : memref<10240xf32, #tpu.memory_space<vmem_shared>> -> memref<10240xf32, #tpu.memory_space<vmem_shared>>
    tpu.enqueue_indirect_dma source(%dma_start3A_57 : memref<128xf32, #tpu.memory_space<vmem>>) target(%dma_start3A_62 : memref<10240xf32, #tpu.memory_space<vmem_shared>>) offsets(%dma_start3A_60 : memref<128xi32, #tpu.memory_space<vmem>>) semaphore(%arg25 : memref<!tpu.dma_semaphore, #tpu.memory_space<semaphore_mem>>) {add = true}
    %dma_start3A_63 = arith.constant 156 : i32
    %dma_start3A_64 = arith.constant 0 : i32
    %dma_start3A_65 = tpu.memref_slice %arg7[%dma_start3A_63, %dma_start3A_64] : memref<157x128xi32, #tpu.memory_space<vmem>> -> memref<1x128xi32, #tpu.memory_space<vmem>>
    %dma_start3A_66 = tpu.memref_squeeze %dma_start3A_65 : memref<1x128xi32, #tpu.memory_space<vmem>> -> memref<128xi32, #tpu.memory_space<vmem>>
    %dma_start3A_67 = arith.constant 0 : i32
    %dma_start3A_68 = tpu.memref_slice %arg22[%dma_start3A_67] : memref<10240xf32, #tpu.memory_space<vmem_shared>> -> memref<10240xf32, #tpu.memory_space<vmem_shared>>
    tpu.enqueue_indirect_dma source(%arg10 : memref<128xf32, #tpu.memory_space<vmem>>) target(%dma_start3A_68 : memref<10240xf32, #tpu.memory_space<vmem_shared>>) offsets(%dma_start3A_66 : memref<128xi32, #tpu.memory_space<vmem>>) semaphore(%arg25 : memref<!tpu.dma_semaphore, #tpu.memory_space<semaphore_mem>>) {add = true}
    %dma_wait3A = arith.constant 155 : i32
    %dma_wait3A_69 = arith.constant 155 : i32
    %dma_wait3A_70 = arith.constant 0 : i32
    %dma_wait3A_71 = tpu.memref_slice %arg8[%dma_wait3A, %dma_wait3A_70] : memref<157x128xf32, #tpu.memory_space<vmem>> -> memref<1x128xf32, #tpu.memory_space<vmem>>
    %dma_wait3A_72 = tpu.memref_squeeze %dma_wait3A_71 : memref<1x128xf32, #tpu.memory_space<vmem>> -> memref<128xf32, #tpu.memory_space<vmem>>
    %dma_wait3A_73 = arith.constant 0 : i32
    %dma_wait3A_74 = tpu.memref_slice %arg7[%dma_wait3A_69, %dma_wait3A_73] : memref<157x128xi32, #tpu.memory_space<vmem>> -> memref<1x128xi32, #tpu.memory_space<vmem>>
    %dma_wait3A_75 = tpu.memref_squeeze %dma_wait3A_74 : memref<1x128xi32, #tpu.memory_space<vmem>> -> memref<128xi32, #tpu.memory_space<vmem>>
    %dma_wait3A_76 = arith.constant 0 : i32
    %dma_wait3A_77 = tpu.memref_slice %arg20[%dma_wait3A_76] : memref<10240xf32, #tpu.memory_space<vmem_shared>> -> memref<10240xf32, #tpu.memory_space<vmem_shared>>
    tpu.wait_indirect_dma semaphore(%arg25 : memref<!tpu.dma_semaphore, #tpu.memory_space<semaphore_mem>>) src(%dma_wait3A_72 : memref<128xf32, #tpu.memory_space<vmem>>) dst(%dma_wait3A_77 : memref<10240xf32, #tpu.memory_space<vmem_shared>>)
    %dma_wait3A_78 = arith.constant 155 : i32
    %dma_wait3A_79 = arith.constant 155 : i32
    %dma_wait3A_80 = arith.constant 0 : i32
    %dma_wait3A_81 = tpu.memref_slice %arg9[%dma_wait3A_78, %dma_wait3A_80] : memref<157x128xf32, #tpu.memory_space<vmem>> -> memref<1x128xf32, #tpu.memory_space<vmem>>
    %dma_wait3A_82 = tpu.memref_squeeze %dma_wait3A_81 : memref<1x128xf32, #tpu.memory_space<vmem>> -> memref<128xf32, #tpu.memory_space<vmem>>
    %dma_wait3A_83 = arith.constant 0 : i32
    %dma_wait3A_84 = tpu.memref_slice %arg7[%dma_wait3A_79, %dma_wait3A_83] : memref<157x128xi32, #tpu.memory_space<vmem>> -> memref<1x128xi32, #tpu.memory_space<vmem>>
    %dma_wait3A_85 = tpu.memref_squeeze %dma_wait3A_84 : memref<1x128xi32, #tpu.memory_space<vmem>> -> memref<128xi32, #tpu.memory_space<vmem>>
    %dma_wait3A_86 = arith.constant 0 : i32
    %dma_wait3A_87 = tpu.memref_slice %arg21[%dma_wait3A_86] : memref<10240xf32, #tpu.memory_space<vmem_shared>> -> memref<10240xf32, #tpu.memory_space<vmem_shared>>
    tpu.wait_indirect_dma semaphore(%arg25 : memref<!tpu.dma_semaphore, #tpu.memory_space<semaphore_mem>>) src(%dma_wait3A_82 : memref<128xf32, #tpu.memory_space<vmem>>) dst(%dma_wait3A_87 : memref<10240xf32, #tpu.memory_space<vmem_shared>>)
    %dma_wait3A_88 = arith.constant 155 : i32
    %dma_wait3A_89 = arith.constant 0 : i32
    %dma_wait3A_90 = tpu.memref_slice %arg7[%dma_wait3A_88, %dma_wait3A_89] : memref<157x128xi32, #tpu.memory_space<vmem>> -> memref<1x128xi32, #tpu.memory_space<vmem>>
    %dma_wait3A_91 = tpu.memref_squeeze %dma_wait3A_90 : memref<1x128xi32, #tpu.memory_space<vmem>> -> memref<128xi32, #tpu.memory_space<vmem>>
    %dma_wait3A_92 = arith.constant 0 : i32
    %dma_wait3A_93 = tpu.memref_slice %arg22[%dma_wait3A_92] : memref<10240xf32, #tpu.memory_space<vmem_shared>> -> memref<10240xf32, #tpu.memory_space<vmem_shared>>
    tpu.wait_indirect_dma semaphore(%arg25 : memref<!tpu.dma_semaphore, #tpu.memory_space<semaphore_mem>>) src(%arg10 : memref<128xf32, #tpu.memory_space<vmem>>) dst(%dma_wait3A_93 : memref<10240xf32, #tpu.memory_space<vmem_shared>>)
    %dma_wait3A_94 = arith.constant 156 : i32
    %dma_wait3A_95 = arith.constant 156 : i32
    %dma_wait3A_96 = arith.constant 0 : i32
    %dma_wait3A_97 = tpu.memref_slice %arg8[%dma_wait3A_94, %dma_wait3A_96] : memref<157x128xf32, #tpu.memory_space<vmem>> -> memref<1x128xf32, #tpu.memory_space<vmem>>
    %dma_wait3A_98 = tpu.memref_squeeze %dma_wait3A_97 : memref<1x128xf32, #tpu.memory_space<vmem>> -> memref<128xf32, #tpu.memory_space<vmem>>
    %dma_wait3A_99 = arith.constant 0 : i32
    %dma_wait3A_100 = tpu.memref_slice %arg7[%dma_wait3A_95, %dma_wait3A_99] : memref<157x128xi32, #tpu.memory_space<vmem>> -> memref<1x128xi32, #tpu.memory_space<vmem>>
    %dma_wait3A_101 = tpu.memref_squeeze %dma_wait3A_100 : memref<1x128xi32, #tpu.memory_space<vmem>> -> memref<128xi32, #tpu.memory_space<vmem>>
    %dma_wait3A_102 = arith.constant 0 : i32
    %dma_wait3A_103 = tpu.memref_slice %arg20[%dma_wait3A_102] : memref<10240xf32, #tpu.memory_space<vmem_shared>> -> memref<10240xf32, #tpu.memory_space<vmem_shared>>
    tpu.wait_indirect_dma semaphore(%arg25 : memref<!tpu.dma_semaphore, #tpu.memory_space<semaphore_mem>>) src(%dma_wait3A_98 : memref<128xf32, #tpu.memory_space<vmem>>) dst(%dma_wait3A_103 : memref<10240xf32, #tpu.memory_space<vmem_shared>>)
    %dma_wait3A_104 = arith.constant 156 : i32
    %dma_wait3A_105 = arith.constant 156 : i32
    %dma_wait3A_106 = arith.constant 0 : i32
    %dma_wait3A_107 = tpu.memref_slice %arg9[%dma_wait3A_104, %dma_wait3A_106] : memref<157x128xf32, #tpu.memory_space<vmem>> -> memref<1x128xf32, #tpu.memory_space<vmem>>
    %dma_wait3A_108 = tpu.memref_squeeze %dma_wait3A_107 : memref<1x128xf32, #tpu.memory_space<vmem>> -> memref<128xf32, #tpu.memory_space<vmem>>
    %dma_wait3A_109 = arith.constant 0 : i32
    %dma_wait3A_110 = tpu.memref_slice %arg7[%dma_wait3A_105, %dma_wait3A_109] : memref<157x128xi32, #tpu.memory_space<vmem>> -> memref<1x128xi32, #tpu.memory_space<vmem>>
    %dma_wait3A_111 = tpu.memref_squeeze %dma_wait3A_110 : memref<1x128xi32, #tpu.memory_space<vmem>> -> memref<128xi32, #tpu.memory_space<vmem>>
    %dma_wait3A_112 = arith.constant 0 : i32
    %dma_wait3A_113 = tpu.memref_slice %arg21[%dma_wait3A_112] : memref<10240xf32, #tpu.memory_space<vmem_shared>> -> memref<10240xf32, #tpu.memory_space<vmem_shared>>
    tpu.wait_indirect_dma semaphore(%arg25 : memref<!tpu.dma_semaphore, #tpu.memory_space<semaphore_mem>>) src(%dma_wait3A_108 : memref<128xf32, #tpu.memory_space<vmem>>) dst(%dma_wait3A_113 : memref<10240xf32, #tpu.memory_space<vmem_shared>>)
    %dma_wait3A_114 = arith.constant 156 : i32
    %dma_wait3A_115 = arith.constant 0 : i32
    %dma_wait3A_116 = tpu.memref_slice %arg7[%dma_wait3A_114, %dma_wait3A_115] : memref<157x128xi32, #tpu.memory_space<vmem>> -> memref<1x128xi32, #tpu.memory_space<vmem>>
    %dma_wait3A_117 = tpu.memref_squeeze %dma_wait3A_116 : memref<1x128xi32, #tpu.memory_space<vmem>> -> memref<128xi32, #tpu.memory_space<vmem>>
    %dma_wait3A_118 = arith.constant 0 : i32
    %dma_wait3A_119 = tpu.memref_slice %arg22[%dma_wait3A_118] : memref<10240xf32, #tpu.memory_space<vmem_shared>> -> memref<10240xf32, #tpu.memory_space<vmem_shared>>
    tpu.wait_indirect_dma semaphore(%arg25 : memref<!tpu.dma_semaphore, #tpu.memory_space<semaphore_mem>>) src(%arg10 : memref<128xf32, #tpu.memory_space<vmem>>) dst(%dma_wait3A_119 : memref<10240xf32, #tpu.memory_space<vmem_shared>>)
    %barrier3A_120 = arith.constant 0 : index
    tpu.barrier barrier_id(%barrier3A_120)
    "tpu.region"() ({
      %run_scoped3A = tpu.sem_alloc : memref<!tpu.dma_semaphore, #tpu.memory_space<semaphore_mem>>
      %dma_start3A_139 = tpu.memref_slice %arg20[%mul3A_11] : memref<10240xf32, #tpu.memory_space<vmem_shared>> -> memref<640xf32, #tpu.memory_space<vmem_shared>>
      %dma_start3A_140 = tpu.memref_slice %arg20[%mul3A_11] : memref<10240xf32, #tpu.memory_space<vmem_shared>> -> memref<640xf32, #tpu.memory_space<vmem_shared>>
      tpu.enqueue_dma source(%dma_start3A_140 : memref<640xf32, #tpu.memory_space<vmem_shared>>) target(%arg11 : memref<640xf32, #tpu.memory_space<vmem>>) target_semaphore(%run_scoped3A : memref<!tpu.dma_semaphore, #tpu.memory_space<semaphore_mem>>)
      %dma_wait3A_141 = tpu.memref_slice %arg20[%mul3A_11] : memref<10240xf32, #tpu.memory_space<vmem_shared>> -> memref<640xf32, #tpu.memory_space<vmem_shared>>
      %dma_wait3A_142 = tpu.memref_slice %arg20[%mul3A_11] : memref<10240xf32, #tpu.memory_space<vmem_shared>> -> memref<640xf32, #tpu.memory_space<vmem_shared>>
      tpu.wait_dma2 semaphore(%run_scoped3A : memref<!tpu.dma_semaphore, #tpu.memory_space<semaphore_mem>>) src(%dma_wait3A_142 : memref<640xf32, #tpu.memory_space<vmem_shared>>) dst(%arg11 : memref<640xf32, #tpu.memory_space<vmem>>)
      tpu.yield
    }) : () -> ()
    "tpu.region"() ({
      %run_scoped3A = tpu.sem_alloc : memref<!tpu.dma_semaphore, #tpu.memory_space<semaphore_mem>>
      %dma_start3A_139 = tpu.memref_slice %arg21[%mul3A_11] : memref<10240xf32, #tpu.memory_space<vmem_shared>> -> memref<640xf32, #tpu.memory_space<vmem_shared>>
      %dma_start3A_140 = tpu.memref_slice %arg21[%mul3A_11] : memref<10240xf32, #tpu.memory_space<vmem_shared>> -> memref<640xf32, #tpu.memory_space<vmem_shared>>
      tpu.enqueue_dma source(%dma_start3A_140 : memref<640xf32, #tpu.memory_space<vmem_shared>>) target(%arg12 : memref<640xf32, #tpu.memory_space<vmem>>) target_semaphore(%run_scoped3A : memref<!tpu.dma_semaphore, #tpu.memory_space<semaphore_mem>>)
      %dma_wait3A_141 = tpu.memref_slice %arg21[%mul3A_11] : memref<10240xf32, #tpu.memory_space<vmem_shared>> -> memref<640xf32, #tpu.memory_space<vmem_shared>>
      %dma_wait3A_142 = tpu.memref_slice %arg21[%mul3A_11] : memref<10240xf32, #tpu.memory_space<vmem_shared>> -> memref<640xf32, #tpu.memory_space<vmem_shared>>
      tpu.wait_dma2 semaphore(%run_scoped3A : memref<!tpu.dma_semaphore, #tpu.memory_space<semaphore_mem>>) src(%dma_wait3A_142 : memref<640xf32, #tpu.memory_space<vmem_shared>>) dst(%arg12 : memref<640xf32, #tpu.memory_space<vmem>>)
      tpu.yield
    }) : () -> ()
    "tpu.region"() ({
      %run_scoped3A = tpu.sem_alloc : memref<!tpu.dma_semaphore, #tpu.memory_space<semaphore_mem>>
      %dma_start3A_139 = tpu.memref_slice %arg22[%mul3A_11] : memref<10240xf32, #tpu.memory_space<vmem_shared>> -> memref<640xf32, #tpu.memory_space<vmem_shared>>
      %dma_start3A_140 = tpu.memref_slice %arg22[%mul3A_11] : memref<10240xf32, #tpu.memory_space<vmem_shared>> -> memref<640xf32, #tpu.memory_space<vmem_shared>>
      tpu.enqueue_dma source(%dma_start3A_140 : memref<640xf32, #tpu.memory_space<vmem_shared>>) target(%arg13 : memref<640xf32, #tpu.memory_space<vmem>>) target_semaphore(%run_scoped3A : memref<!tpu.dma_semaphore, #tpu.memory_space<semaphore_mem>>)
      %dma_wait3A_141 = tpu.memref_slice %arg22[%mul3A_11] : memref<10240xf32, #tpu.memory_space<vmem_shared>> -> memref<640xf32, #tpu.memory_space<vmem_shared>>
      %dma_wait3A_142 = tpu.memref_slice %arg22[%mul3A_11] : memref<10240xf32, #tpu.memory_space<vmem_shared>> -> memref<640xf32, #tpu.memory_space<vmem_shared>>
      tpu.wait_dma2 semaphore(%run_scoped3A : memref<!tpu.dma_semaphore, #tpu.memory_space<semaphore_mem>>) src(%dma_wait3A_142 : memref<640xf32, #tpu.memory_space<vmem_shared>>) dst(%arg13 : memref<640xf32, #tpu.memory_space<vmem>>)
      tpu.yield
    }) : () -> ()
    %broadcast_in_dim3A = arith.constant 1597463007 : i32
    %broadcast_in_dim3A_121 = vector.broadcast %broadcast_in_dim3A : i32 to vector<16xi32>
    %scan3A_122 = arith.constant 0 : i32
    %scan3A_123 = arith.constant 0 : i32
    %scan3A_124 = arith.constant 40 : i32
    %scan3A_125 = arith.addi %scan3A_123, %scan3A_124 : i32
    %scan3A_126 = arith.constant 1 : i32
    scf.for %scan3A_139 = %scan3A_123 to %scan3A_125 step %scan3A_126  : i32 {
      %mul3A_140 = arith.constant 16 : i32
      %mul3A_141 = arith.muli %scan3A_139, %mul3A_140 : i32
      %get3A = arith.index_cast %mul3A_141 : i32 to index
      %get3A_142 = tpu.vector_load %arg13[%get3A] {strides = array<i32>} : memref<640xf32, #tpu.memory_space<vmem>>, vector<16xf32>,
      %mul3A_143 = arith.constant 1.280000e+02 : f32
      %mul3A_144 = vector.broadcast %mul3A_143 : f32 to vector<16xf32>
      %mul3A_145 = arith.mulf %get3A_142, %mul3A_144 : vector<16xf32>
      %get3A_146 = arith.index_cast %mul3A_141 : i32 to index
      %get3A_147 = tpu.vector_load %arg11[%get3A_146] {strides = array<i32>} : memref<640xf32, #tpu.memory_space<vmem>>, vector<16xf32>,
      %max3A = arith.constant 1.000000e+00 : f32
      %max3A_148 = vector.broadcast %max3A : f32 to vector<16xf32>
      %max3A_149 = arith.maximumf %mul3A_145, %max3A_148 : vector<16xf32>
      %div3A = arith.divf %get3A_147, %max3A_149 : vector<16xf32>
      %get3A_150 = arith.index_cast %mul3A_141 : i32 to index
      %get3A_151 = tpu.vector_load %arg12[%get3A_150] {strides = array<i32>} : memref<640xf32, #tpu.memory_space<vmem>>, vector<16xf32>,
      %mul3A_152 = arith.mulf %mul3A_145, %div3A : vector<16xf32>
      %mul3A_153 = arith.mulf %mul3A_152, %div3A : vector<16xf32>
      %sub3A = arith.subf %get3A_151, %mul3A_153 : vector<16xf32>
      %max3A_154 = arith.constant 0.000000e+00 : f32
      %max3A_155 = vector.broadcast %max3A_154 : f32 to vector<16xf32>
      %max3A_156 = arith.maximumf %sub3A, %max3A_155 : vector<16xf32>
      %sub3A_157 = arith.constant 1.000000e+00 : f32
      %sub3A_158 = vector.broadcast %sub3A_157 : f32 to vector<16xf32>
      %sub3A_159 = arith.subf %mul3A_145, %sub3A_158 : vector<16xf32>
      %max3A_160 = arith.constant 1.000000e+00 : f32
      %max3A_161 = vector.broadcast %max3A_160 : f32 to vector<16xf32>
      %max3A_162 = arith.maximumf %sub3A_159, %max3A_161 : vector<16xf32>
      %div3A_163 = arith.divf %max3A_156, %max3A_162 : vector<16xf32>
      %max3A_164 = arith.constant 1.000000e-30 : f32
      %max3A_165 = vector.broadcast %max3A_164 : f32 to vector<16xf32>
      %max3A_166 = arith.maximumf %div3A_163, %max3A_165 : vector<16xf32>
      %bitcast3A = vector.bitcast %max3A_166 : vector<16xf32> to vector<16xi32>
      %shift_right_logical3A = arith.constant 1 : i32
      %shift_right_logical3A_167 = vector.broadcast %shift_right_logical3A : i32 to vector<16xi32>
      %shift_right_logical3A_168 = arith.shrui %bitcast3A, %shift_right_logical3A_167 : vector<16xi32>
      %sub3A_169 = arith.subi %broadcast_in_dim3A_121, %shift_right_logical3A_168 : vector<16xi32>
      %bitcast3A_170 = vector.bitcast %sub3A_169 : vector<16xi32> to vector<16xf32>
      %mul3A_171 = arith.constant -5.000000e-01 : f32
      %mul3A_172 = vector.broadcast %mul3A_171 : f32 to vector<16xf32>
      %mul3A_173 = arith.mulf %mul3A_172, %max3A_166 : vector<16xf32>
      %mul3A_174 = arith.mulf %mul3A_173, %bitcast3A_170 : vector<16xf32>
      %mul3A_175 = arith.mulf %mul3A_174, %bitcast3A_170 : vector<16xf32>
      %add3A_176 = arith.constant 1.500000e+00 : f32
      %add3A_177 = vector.broadcast %add3A_176 : f32 to vector<16xf32>
      %add3A_178 = arith.addf %add3A_177, %mul3A_175 : vector<16xf32>
      %mul3A_179 = arith.mulf %bitcast3A_170, %add3A_178 : vector<16xf32>
      %mul3A_180 = arith.mulf %mul3A_173, %mul3A_179 : vector<16xf32>
      %mul3A_181 = arith.mulf %mul3A_180, %mul3A_179 : vector<16xf32>
      %add3A_182 = arith.constant 1.500000e+00 : f32
      %add3A_183 = vector.broadcast %add3A_182 : f32 to vector<16xf32>
      %add3A_184 = arith.addf %add3A_183, %mul3A_181 : vector<16xf32>
      %mul3A_185 = arith.mulf %mul3A_179, %add3A_184 : vector<16xf32>
      %mul3A_186 = arith.mulf %mul3A_173, %mul3A_185 : vector<16xf32>
      %mul3A_187 = arith.mulf %mul3A_186, %mul3A_185 : vector<16xf32>
      %add3A_188 = arith.constant 1.500000e+00 : f32
      %add3A_189 = vector.broadcast %add3A_188 : f32 to vector<16xf32>
      %add3A_190 = arith.addf %add3A_189, %mul3A_187 : vector<16xf32>
      %mul3A_191 = arith.mulf %mul3A_185, %add3A_190 : vector<16xf32>
      %mul3A_192 = arith.mulf %max3A_166, %mul3A_191 : vector<16xf32>
      %swap3A = arith.index_cast %mul3A_141 : i32 to index
      %swap3A_193 = tpu.vector_load %arg14[%swap3A] {strides = array<i32>} : memref<640xf32, #tpu.memory_space<vmem>>, vector<16xf32>,
      tpu.vector_store %arg14[%swap3A], %div3A {strides = array<i32>} : memref<640xf32, #tpu.memory_space<vmem>>, vector<16xf32>,
      %add3A_194 = arith.constant 9.99999974E-6 : f32
      %add3A_195 = vector.broadcast %add3A_194 : f32 to vector<16xf32>
      %add3A_196 = arith.addf %mul3A_192, %add3A_195 : vector<16xf32>
      %div3A_197 = arith.constant 1.000000e+00 : f32
      %div3A_198 = vector.broadcast %div3A_197 : f32 to vector<16xf32>
      %div3A_199 = arith.divf %div3A_198, %add3A_196 : vector<16xf32>
      %swap3A_200 = arith.index_cast %mul3A_141 : i32 to index
      %swap3A_201 = tpu.vector_load %arg15[%swap3A_200] {strides = array<i32>} : memref<640xf32, #tpu.memory_space<vmem>>, vector<16xf32>,
      tpu.vector_store %arg15[%swap3A_200], %div3A_199 {strides = array<i32>} : memref<640xf32, #tpu.memory_space<vmem>>, vector<16xf32>,
    }
    %scan3A_127 = arith.constant 40 : i32
    "tpu.region"() ({
      %run_scoped3A = tpu.sem_alloc : memref<!tpu.dma_semaphore, #tpu.memory_space<semaphore_mem>>
      %dma_start3A_139 = tpu.memref_slice %arg23[%mul3A_11] : memref<10240xf32, #tpu.memory_space<vmem_shared>> -> memref<640xf32, #tpu.memory_space<vmem_shared>>
      %dma_start3A_140 = tpu.memref_slice %arg23[%mul3A_11] : memref<10240xf32, #tpu.memory_space<vmem_shared>> -> memref<640xf32, #tpu.memory_space<vmem_shared>>
      tpu.enqueue_dma source(%arg14 : memref<640xf32, #tpu.memory_space<vmem>>) target(%dma_start3A_140 : memref<640xf32, #tpu.memory_space<vmem_shared>>) target_semaphore(%run_scoped3A : memref<!tpu.dma_semaphore, #tpu.memory_space<semaphore_mem>>)
      %dma_wait3A_141 = tpu.memref_slice %arg23[%mul3A_11] : memref<10240xf32, #tpu.memory_space<vmem_shared>> -> memref<640xf32, #tpu.memory_space<vmem_shared>>
      %dma_wait3A_142 = tpu.memref_slice %arg23[%mul3A_11] : memref<10240xf32, #tpu.memory_space<vmem_shared>> -> memref<640xf32, #tpu.memory_space<vmem_shared>>
      tpu.wait_dma2 semaphore(%run_scoped3A : memref<!tpu.dma_semaphore, #tpu.memory_space<semaphore_mem>>) src(%arg14 : memref<640xf32, #tpu.memory_space<vmem>>) dst(%dma_wait3A_142 : memref<640xf32, #tpu.memory_space<vmem_shared>>)
      tpu.yield
    }) : () -> ()
    "tpu.region"() ({
      %run_scoped3A = tpu.sem_alloc : memref<!tpu.dma_semaphore, #tpu.memory_space<semaphore_mem>>
      %dma_start3A_139 = tpu.memref_slice %arg24[%mul3A_11] : memref<10240xf32, #tpu.memory_space<vmem_shared>> -> memref<640xf32, #tpu.memory_space<vmem_shared>>
      %dma_start3A_140 = tpu.memref_slice %arg24[%mul3A_11] : memref<10240xf32, #tpu.memory_space<vmem_shared>> -> memref<640xf32, #tpu.memory_space<vmem_shared>>
      tpu.enqueue_dma source(%arg15 : memref<640xf32, #tpu.memory_space<vmem>>) target(%dma_start3A_140 : memref<640xf32, #tpu.memory_space<vmem_shared>>) target_semaphore(%run_scoped3A : memref<!tpu.dma_semaphore, #tpu.memory_space<semaphore_mem>>)
      %dma_wait3A_141 = tpu.memref_slice %arg24[%mul3A_11] : memref<10240xf32, #tpu.memory_space<vmem_shared>> -> memref<640xf32, #tpu.memory_space<vmem_shared>>
      %dma_wait3A_142 = tpu.memref_slice %arg24[%mul3A_11] : memref<10240xf32, #tpu.memory_space<vmem_shared>> -> memref<640xf32, #tpu.memory_space<vmem_shared>>
      tpu.wait_dma2 semaphore(%run_scoped3A : memref<!tpu.dma_semaphore, #tpu.memory_space<semaphore_mem>>) src(%arg15 : memref<640xf32, #tpu.memory_space<vmem>>) dst(%dma_wait3A_142 : memref<640xf32, #tpu.memory_space<vmem_shared>>)
      tpu.yield
    }) : () -> ()
    %barrier3A_128 = arith.constant 0 : index
    tpu.barrier barrier_id(%barrier3A_128)
    "tpu.region"() ({
      %run_scoped3A = tpu.sem_alloc : memref<!tpu.dma_semaphore, #tpu.memory_space<semaphore_mem>>
      tpu.enqueue_dma source(%arg23 : memref<10240xf32, #tpu.memory_space<vmem_shared>>) target(%arg16 : memref<10240xf32, #tpu.memory_space<vmem>>) target_semaphore(%run_scoped3A : memref<!tpu.dma_semaphore, #tpu.memory_space<semaphore_mem>>)
      tpu.wait_dma2 semaphore(%run_scoped3A : memref<!tpu.dma_semaphore, #tpu.memory_space<semaphore_mem>>) src(%arg23 : memref<10240xf32, #tpu.memory_space<vmem_shared>>) dst(%arg16 : memref<10240xf32, #tpu.memory_space<vmem>>)
      tpu.yield
    }) : () -> ()
    "tpu.region"() ({
      %run_scoped3A = tpu.sem_alloc : memref<!tpu.dma_semaphore, #tpu.memory_space<semaphore_mem>>
      tpu.enqueue_dma source(%arg24 : memref<10240xf32, #tpu.memory_space<vmem_shared>>) target(%arg17 : memref<10240xf32, #tpu.memory_space<vmem>>) target_semaphore(%run_scoped3A : memref<!tpu.dma_semaphore, #tpu.memory_space<semaphore_mem>>)
      tpu.wait_dma2 semaphore(%run_scoped3A : memref<!tpu.dma_semaphore, #tpu.memory_space<semaphore_mem>>) src(%arg24 : memref<10240xf32, #tpu.memory_space<vmem_shared>>) dst(%arg17 : memref<10240xf32, #tpu.memory_space<vmem>>)
      tpu.yield
    }) : () -> ()
    %scan3A_129 = arith.constant 0 : i32
    %scan3A_130 = arith.constant 0 : i32
    %scan3A_131 = arith.constant 628 : i32
    %scan3A_132 = arith.addi %scan3A_130, %scan3A_131 : i32
    %scan3A_133 = arith.constant 1 : i32
    scf.for %scan3A_139 = %scan3A_130 to %scan3A_132 step %scan3A_133  : i32 {
      %mul3A_140 = arith.constant 10048 : i32
      %mul3A_141 = arith.muli %arg0, %mul3A_140 : i32
      %mul3A_142 = arith.constant 16 : i32
      %mul3A_143 = arith.muli %scan3A_139, %mul3A_142 : i32
      %add3A_144 = arith.addi %mul3A_141, %mul3A_143 : i32
      %jit3A = arith.constant 128 : i32
      %div3A = arith.divsi %add3A_144, %jit3A : i32
      %sign3A = arith.constant 0 : i32
      %sign3A_145 = arith.cmpi sgt, %add3A_144, %sign3A : i32
      %sign3A_146 = arith.extui %sign3A_145 : i1 to i32
      %sign3A_147 = arith.constant 0 : i32
      %sign3A_148 = arith.cmpi slt, %add3A_144, %sign3A_147 : i32
      %sign3A_149 = arith.extui %sign3A_148 : i1 to i32
      %sign3A_150 = arith.subi %sign3A_146, %sign3A_149 : i32
      %sign3A_151 = arith.constant 0 : i32
      %sign3A_152 = arith.cmpi sgt, %jit3A, %sign3A_151 : i32
      %sign3A_153 = arith.extui %sign3A_152 : i1 to i32
      %sign3A_154 = arith.constant 0 : i32
      %sign3A_155 = arith.cmpi slt, %jit3A, %sign3A_154 : i32
      %sign3A_156 = arith.extui %sign3A_155 : i1 to i32
      %sign3A_157 = arith.subi %sign3A_153, %sign3A_156 : i32
      %ne3A = arith.cmpi ne, %sign3A_150, %sign3A_157 : i32
      %rem3A = arith.remsi %add3A_144, %jit3A : i32
      %ne3A_158 = arith.constant 0 : i32
      %ne3A_159 = arith.cmpi ne, %rem3A, %ne3A_158 : i32
      %and3A = arith.andi %ne3A, %ne3A_159 : i1
      %sub3A = arith.constant 1 : i32
      %sub3A_160 = arith.subi %div3A, %sub3A : i32
      %select_n3A = arith.select %and3A, %sub3A_160, %div3A : i32
      %jit3A_161 = arith.constant 128 : i32
      %eq3A = arith.constant 0 : i32
      %eq3A_162 = arith.cmpi eq, %jit3A_161, %eq3A : i32
      %jit3A_163 = arith.constant 1 : i32
      %select_n3A_164 = arith.select %eq3A_162, %jit3A_163, %jit3A_161 : i32
      %rem3A_165 = arith.remsi %add3A_144, %select_n3A_164 : i32
      %ne3A_166 = arith.constant 0 : i32
      %ne3A_167 = arith.cmpi ne, %rem3A_165, %ne3A_166 : i32
      %lt3A = arith.constant 0 : i32
      %lt3A_168 = arith.cmpi slt, %rem3A_165, %lt3A : i32
      %lt3A_169 = arith.constant 0 : i32
      %lt3A_170 = arith.cmpi slt, %select_n3A_164, %lt3A_169 : i32
      %ne3A_171 = arith.xori %lt3A_168, %lt3A_170 : i1
      %and3A_172 = arith.andi %ne3A_171, %ne3A_167 : i1
      %add3A_173 = arith.addi %rem3A_165, %select_n3A_164 : i32
      %select_n3A_174 = arith.select %and3A_172, %add3A_173, %rem3A_165 : i32
      %get3A = arith.index_cast %select_n3A : i32 to index
      %get3A_175 = arith.index_cast %select_n3A_174 : i32 to index
      %get3A_176 = tpu.vector_load %arg7[%get3A, %get3A_175] {strides = array<i32>} : memref<157x128xi32, #tpu.memory_space<vmem>>, vector<16xi32>,
      %gather3A = tpu.vector_load_idx %arg16[%get3A_176] : memref<10240xf32, #tpu.memory_space<vmem>>[vector<16xi32>], vector<16xf32>,
      %mul3A_177 = arith.constant 16 : i32
      %mul3A_178 = arith.muli %scan3A_139, %mul3A_177 : i32
      %swap3A = arith.index_cast %mul3A_178 : i32 to index
      %swap3A_179 = tpu.vector_load %arg18[%swap3A] {strides = array<i32>} : memref<10048xf32, #tpu.memory_space<vmem>>, vector<16xf32>,
      tpu.vector_store %arg18[%swap3A], %gather3A {strides = array<i32>} : memref<10048xf32, #tpu.memory_space<vmem>>, vector<16xf32>,
      %gather3A_180 = tpu.vector_load_idx %arg17[%get3A_176] : memref<10240xf32, #tpu.memory_space<vmem>>[vector<16xi32>], vector<16xf32>,
      %mul3A_181 = arith.constant 16 : i32
      %mul3A_182 = arith.muli %scan3A_139, %mul3A_181 : i32
      %swap3A_183 = arith.index_cast %mul3A_182 : i32 to index
      %swap3A_184 = tpu.vector_load %arg19[%swap3A_183] {strides = array<i32>} : memref<10048xf32, #tpu.memory_space<vmem>>, vector<16xf32>,
      tpu.vector_store %arg19[%swap3A_183], %gather3A_180 {strides = array<i32>} : memref<10048xf32, #tpu.memory_space<vmem>>, vector<16xf32>,
    }
    %scan3A_134 = arith.constant 628 : i32
    %mul3A_135 = arith.constant 20096 : i32
    %mul3A_136 = arith.muli %arg1, %mul3A_135 : i32
    %mul3A_137 = arith.constant 10048 : i32
    %mul3A_138 = arith.muli %arg0, %mul3A_137 : i32
    %add3A = arith.addi %mul3A_136, %mul3A_138 : i32
    "tpu.region"() ({
      %run_scoped3A = tpu.sem_alloc : memref<!tpu.dma_semaphore, #tpu.memory_space<semaphore_mem>>
      %dma_start3A_139 = tpu.memref_slice %arg5[%add3A] : memref<321536xf32, #tpu.memory_space<hbm>> -> memref<10048xf32, #tpu.memory_space<hbm>>
      %dma_start3A_140 = tpu.memref_slice %arg5[%add3A] : memref<321536xf32, #tpu.memory_space<hbm>> -> memref<10048xf32, #tpu.memory_space<hbm>>
      tpu.enqueue_dma source(%arg18 : memref<10048xf32, #tpu.memory_space<vmem>>) target(%dma_start3A_140 : memref<10048xf32, #tpu.memory_space<hbm>>) target_semaphore(%run_scoped3A : memref<!tpu.dma_semaphore, #tpu.memory_space<semaphore_mem>>)
      %dma_wait3A_141 = tpu.memref_slice %arg5[%add3A] : memref<321536xf32, #tpu.memory_space<hbm>> -> memref<10048xf32, #tpu.memory_space<hbm>>
      %dma_wait3A_142 = tpu.memref_slice %arg5[%add3A] : memref<321536xf32, #tpu.memory_space<hbm>> -> memref<10048xf32, #tpu.memory_space<hbm>>
      tpu.wait_dma2 semaphore(%run_scoped3A : memref<!tpu.dma_semaphore, #tpu.memory_space<semaphore_mem>>) src(%arg18 : memref<10048xf32, #tpu.memory_space<vmem>>) dst(%dma_wait3A_142 : memref<10048xf32, #tpu.memory_space<hbm>>)
      tpu.yield
    }) : () -> ()
    "tpu.region"() ({
      %run_scoped3A = tpu.sem_alloc : memref<!tpu.dma_semaphore, #tpu.memory_space<semaphore_mem>>
      %dma_start3A_139 = tpu.memref_slice %arg6[%add3A] : memref<321536xf32, #tpu.memory_space<hbm>> -> memref<10048xf32, #tpu.memory_space<hbm>>
      %dma_start3A_140 = tpu.memref_slice %arg6[%add3A] : memref<321536xf32, #tpu.memory_space<hbm>> -> memref<10048xf32, #tpu.memory_space<hbm>>
      tpu.enqueue_dma source(%arg19 : memref<10048xf32, #tpu.memory_space<vmem>>) target(%dma_start3A_140 : memref<10048xf32, #tpu.memory_space<hbm>>) target_semaphore(%run_scoped3A : memref<!tpu.dma_semaphore, #tpu.memory_space<semaphore_mem>>)
      %dma_wait3A_141 = tpu.memref_slice %arg6[%add3A] : memref<321536xf32, #tpu.memory_space<hbm>> -> memref<10048xf32, #tpu.memory_space<hbm>>
      %dma_wait3A_142 = tpu.memref_slice %arg6[%add3A] : memref<321536xf32, #tpu.memory_space<hbm>> -> memref<10048xf32, #tpu.memory_space<hbm>>
      tpu.wait_dma2 semaphore(%run_scoped3A : memref<!tpu.dma_semaphore, #tpu.memory_space<semaphore_mem>>) src(%arg19 : memref<10048xf32, #tpu.memory_space<vmem>>) dst(%dma_wait3A_142 : memref<10048xf32, #tpu.memory_space<hbm>>)
      tpu.yield
    }) : () -> ()
    return
  }
}

module attributes {stable_mosaic.version = 14 : i64} {
  func.func @_rowsum_body(%arg0: i32, %arg1: memref<3200x128xf32, #tpu.memory_space<vmem>>, %arg2: memref<1x25x128xf32, #tpu.memory_space<vmem>>, %arg3: memref<1x25x128xf32, #tpu.memory_space<vmem>>) attributes {dimension_semantics = [#tpu.dimension_semantics<arbitrary>], iteration_bounds = array<i64: 100>, scalar_prefetch = 0 : i64, scratch_operands = 0 : i64, tpu.core_type = #tpu.core_type<tc>, window_params = [{transform_indices = @transform_0, window_bounds = array<i64: 3200, 128>}, {transform_indices = @transform_1, window_bounds = array<i64: 1, 25, 128>}, {transform_indices = @transform_2, window_bounds = array<i64: 1, 25, 128>}]} {
    %get3A = arith.constant 0 : index
    %get3A_0 = arith.constant 0 : index
    %get3A_1 = vector.load %arg1[%get3A, %get3A_0] : memref<3200x128xf32, #tpu.memory_space<vmem>>, vector<3200x128xf32>
    %reshape3A = vector.shape_cast %get3A_1 : vector<3200x128xf32> to vector<1x25x128x128xf32>
    %reduce_sum3A = arith.constant dense<0.000000e+00> : vector<1x25x128xf32>
    %reduce_sum3A_2 = vector.multi_reduction <add>, %reshape3A, %reduce_sum3A [3] : vector<1x25x128x128xf32> to vector<1x25x128xf32>
    %swap3A = arith.constant 0 : index
    %swap3A_3 = arith.constant 0 : index
    %swap3A_4 = arith.constant 0 : index
    %swap3A_5 = vector.load %arg2[%swap3A, %swap3A_3, %swap3A_4] : memref<1x25x128xf32, #tpu.memory_space<vmem>>, vector<1x25x128xf32>
    tpu.vector_store %arg2[%swap3A, %swap3A_3, %swap3A_4], %reduce_sum3A_2 {strides = array<i32>} : memref<1x25x128xf32, #tpu.memory_space<vmem>>, vector<1x25x128xf32>,
    %mul3A = arith.mulf %reshape3A, %reshape3A : vector<1x25x128x128xf32>
    %reduce_sum3A_6 = arith.constant dense<0.000000e+00> : vector<1x25x128xf32>
    %reduce_sum3A_7 = vector.multi_reduction <add>, %mul3A, %reduce_sum3A_6 [3] : vector<1x25x128x128xf32> to vector<1x25x128xf32>
    %swap3A_8 = arith.constant 0 : index
    %swap3A_9 = arith.constant 0 : index
    %swap3A_10 = arith.constant 0 : index
    %swap3A_11 = vector.load %arg3[%swap3A_8, %swap3A_9, %swap3A_10] : memref<1x25x128xf32, #tpu.memory_space<vmem>>, vector<1x25x128xf32>
    tpu.vector_store %arg3[%swap3A_8, %swap3A_9, %swap3A_10], %reduce_sum3A_7 {strides = array<i32>} : memref<1x25x128xf32, #tpu.memory_space<vmem>>, vector<1x25x128xf32>,
    return
  }
  func.func @transform_0(%arg0: i32) -> (i32, i32) {
    %c0_i32 = arith.constant 0 : i32
    %c0_i32_0 = arith.constant 0 : i32
    return %arg0, %c0_i32 : i32, i32
  }
  func.func @transform_1(%arg0: i32) -> (i32, i32, i32) {
    %c0_i32 = arith.constant 0 : i32
    %c0_i32_0 = arith.constant 0 : i32
    %c0_i32_1 = arith.constant 0 : i32
    return %arg0, %c0_i32, %c0_i32_0 : i32, i32, i32
  }
  func.func @transform_2(%arg0: i32) -> (i32, i32, i32) {
    %c0_i32 = arith.constant 0 : i32
    %c0_i32_0 = arith.constant 0 : i32
    %c0_i32_1 = arith.constant 0 : i32
    return %arg0, %c0_i32, %c0_i32_0 : i32, i32, i32
  }
}

module attributes {stable_mosaic.version = 14 : i64} {
  func.func @_final_body(%arg0: i32, %arg1: memref<3200x128xf32, #tpu.memory_space<vmem>>, %arg2: memref<1x25x128xf32, #tpu.memory_space<vmem>>, %arg3: memref<1x25x128xf32, #tpu.memory_space<vmem>>, %arg4: memref<1x128xf32, #tpu.memory_space<vmem>>, %arg5: memref<1x128xf32, #tpu.memory_space<vmem>>, %arg6: memref<3200x128xf32, #tpu.memory_space<vmem>>) attributes {dimension_semantics = [#tpu.dimension_semantics<arbitrary>], iteration_bounds = array<i64: 100>, scalar_prefetch = 0 : i64, scratch_operands = 0 : i64, tpu.core_type = #tpu.core_type<tc>, window_params = [{transform_indices = @transform_0, window_bounds = array<i64: 3200, 128>}, {transform_indices = @transform_1, window_bounds = array<i64: 1, 25, 128>}, {transform_indices = @transform_2, window_bounds = array<i64: 1, 25, 128>}, {pipeline_mode = #tpu.pipeline_mode<synchronous>, transform_indices = @transform_3, window_bounds = array<i64: 1, 128>}, {pipeline_mode = #tpu.pipeline_mode<synchronous>, transform_indices = @transform_4, window_bounds = array<i64: 1, 128>}, {transform_indices = @transform_5, window_bounds = array<i64: 3200, 128>}]} {
    %get3A = arith.constant 0 : index
    %get3A_0 = arith.constant 0 : index
    %get3A_1 = vector.load %arg1[%get3A, %get3A_0] : memref<3200x128xf32, #tpu.memory_space<vmem>>, vector<3200x128xf32>
    %reshape3A = vector.shape_cast %get3A_1 : vector<3200x128xf32> to vector<1x25x128x128xf32>
    %get3A_2 = arith.constant 0 : index
    %get3A_3 = arith.constant 0 : index
    %get3A_4 = arith.constant 0 : index
    %get3A_5 = vector.load %arg2[%get3A_2, %get3A_3, %get3A_4] : memref<1x25x128xf32, #tpu.memory_space<vmem>>, vector<1x25x128xf32>
    %broadcast_in_dim3A = vector.shape_cast %get3A_5 : vector<1x25x128xf32> to vector<1x25x128x1xf32>
    %broadcast_in_dim3A_6 = vector.broadcast %broadcast_in_dim3A : vector<1x25x128x1xf32> to vector<1x25x128x128xf32>
    %get3A_7 = arith.constant 0 : index
    %get3A_8 = arith.constant 0 : index
    %get3A_9 = arith.constant 0 : index
    %get3A_10 = vector.load %arg3[%get3A_7, %get3A_8, %get3A_9] : memref<1x25x128xf32, #tpu.memory_space<vmem>>, vector<1x25x128xf32>
    %broadcast_in_dim3A_11 = vector.shape_cast %get3A_10 : vector<1x25x128xf32> to vector<1x25x128x1xf32>
    %broadcast_in_dim3A_12 = vector.broadcast %broadcast_in_dim3A_11 : vector<1x25x128x1xf32> to vector<1x25x128x128xf32>
    %get3A_13 = arith.constant 0 : index
    %get3A_14 = arith.constant 0 : index
    %get3A_15 = vector.load %arg4[%get3A_13, %get3A_14] : memref<1x128xf32, #tpu.memory_space<vmem>>, vector<1x128xf32>
    %broadcast_in_dim3A_16 = vector.shape_cast %get3A_15 : vector<1x128xf32> to vector<1x1x1x128xf32>
    %broadcast_in_dim3A_17 = vector.broadcast %broadcast_in_dim3A_16 : vector<1x1x1x128xf32> to vector<1x25x128x128xf32>
    %get3A_18 = arith.constant 0 : index
    %get3A_19 = arith.constant 0 : index
    %get3A_20 = vector.load %arg5[%get3A_18, %get3A_19] : memref<1x128xf32, #tpu.memory_space<vmem>>, vector<1x128xf32>
    %broadcast_in_dim3A_21 = vector.shape_cast %get3A_20 : vector<1x128xf32> to vector<1x1x1x128xf32>
    %broadcast_in_dim3A_22 = vector.broadcast %broadcast_in_dim3A_21 : vector<1x1x1x128xf32> to vector<1x25x128x128xf32>
    %sub3A = arith.subf %reshape3A, %broadcast_in_dim3A_6 : vector<1x25x128x128xf32>
    %mul3A = arith.mulf %sub3A, %broadcast_in_dim3A_12 : vector<1x25x128x128xf32>
    %mul3A_23 = arith.mulf %broadcast_in_dim3A_17, %mul3A : vector<1x25x128x128xf32>
    %add3A = arith.addf %mul3A_23, %broadcast_in_dim3A_22 : vector<1x25x128x128xf32>
    %reshape3A_24 = vector.shape_cast %add3A : vector<1x25x128x128xf32> to vector<3200x128xf32>
    %swap3A = arith.constant 0 : index
    %swap3A_25 = arith.constant 0 : index
    %swap3A_26 = vector.load %arg6[%swap3A, %swap3A_25] : memref<3200x128xf32, #tpu.memory_space<vmem>>, vector<3200x128xf32>
    tpu.vector_store %arg6[%swap3A, %swap3A_25], %reshape3A_24 {strides = array<i32>} : memref<3200x128xf32, #tpu.memory_space<vmem>>, vector<3200x128xf32>,
    return
  }
  func.func @transform_0(%arg0: i32) -> (i32, i32) {
    %c0_i32 = arith.constant 0 : i32
    %c0_i32_0 = arith.constant 0 : i32
    return %arg0, %c0_i32 : i32, i32
  }
  func.func @transform_1(%arg0: i32) -> (i32, i32, i32) {
    %c0_i32 = arith.constant 0 : i32
    %c0_i32_0 = arith.constant 0 : i32
    %c0_i32_1 = arith.constant 0 : i32
    return %arg0, %c0_i32, %c0_i32_0 : i32, i32, i32
  }
  func.func @transform_2(%arg0: i32) -> (i32, i32, i32) {
    %c0_i32 = arith.constant 0 : i32
    %c0_i32_0 = arith.constant 0 : i32
    %c0_i32_1 = arith.constant 0 : i32
    return %arg0, %c0_i32, %c0_i32_0 : i32, i32, i32
  }
  func.func @transform_3(%arg0: i32) -> (i32, i32) {
    %c0_i32 = arith.constant 0 : i32
    %c0_i32_0 = arith.constant 0 : i32
    %c0_i32_1 = arith.constant 0 : i32
    return %c0_i32, %c0_i32_0 : i32, i32
  }
  func.func @transform_4(%arg0: i32) -> (i32, i32) {
    %c0_i32 = arith.constant 0 : i32
    %c0_i32_0 = arith.constant 0 : i32
    %c0_i32_1 = arith.constant 0 : i32
    return %c0_i32, %c0_i32_0 : i32, i32
  }
  func.func @transform_5(%arg0: i32) -> (i32, i32) {
    %c0_i32 = arith.constant 0 : i32
    %c0_i32_0 = arith.constant 0 : i32
    return %arg0, %c0_i32 : i32, i32
  }
}

</mosaic_0001>

<sc_bundles>
// kernel: kernel.5.cloned.1.call-start
scs
__scs_entry_jumppad:
0x0: {  	(pc) =	sbr.rel $0x88, $3  }
0x1: {  	(tag) =	ssettag $0x0;
	lr =	simm.s32 $0x1  }
0x2: {  	[smem:$0x3F9D] =	sst lr;
	_ =	strace $0xD0000000  }
0x3: {  	_ = 	snop  }
0x4: {  	_ = 	snop  }
0x5: {  	_ = 	snop  }
0x6: {  	_ = 	snop  }
0x7: {  	_ = 	snop  }
__scs_overlays_trampoline_lowered:
0x8: {  	[smem:$0x3FAC] =	sst s0  }
0x9: {  	[smem:$0x3FAD] =	sst s1  }
0xa: {  	[smem:$0x3FAE] =	sst s2  }
0xb: {  	[smem:$0x3FAF] =	sst s3  }
0xc: {  	[smem:$0x3FB0] =	sst s4  }
0xd: {  	[smem:$0x3FB1] =	sst s5  }
0xe: {  	[smem:$0x3FB2] =	sst s6  }
0xf: {  	[smem:$0x3FB3] =	sst s7  }
0x10: {  	[smem:$0x3FB4] =	sst s8  }
0x11: {  	[smem:$0x3FB5] =	sst s9;
	s0 =	simm.s32 @!p0 $0x0  }
0x12: {  	s1 =	sld [smem:$0x3F9B];
	s0 =	simm.s32 @p0 $0x1  }
0x13: {  	[smem:$0x3FB6] =	sst s0;
	s0 =	simm.s32 @!p1 $0x0  }
0x14: {  	s2 =	sld [smem:$0x3F9A];
	s0 =	simm.s32 @p1 $0x1  }
0x15: {  	[smem:$0x3FB7] =	sst s0;
	s0 =	simm.s32 @!p2 $0x0  }
0x16: {  	s3 =	sld [smem:$0x3FDB];
	s0 =	simm.s32 @p2 $0x1  }
0x17: {  	s4 =	simm.s32 $0x1BF5;
	[smem:$0x3FB9] =	sst s0  }
0x18: {  	s0 =	sld [smem:$0x3F9C];
	_ =	swait.ge [sflag:s4], $0x0  }
0x19: {  	s7 =	sld [smem:$0x3F9D]  }
0x1a: {  	s8 =	sadd.s32 $0xFFFFE003, lr  }
0x1b: {  	s9 =	sadd.s32 $0xFFFFFEF7, lr;
	s5 =	simm.s32 $0xFFFFFFFF;
	p2 =	slt.u32 s8, $0xFFFFF086  }
0x1c: {  	p1 =	slt.u32 s9, $0xF7A;
	s5 =	simm.s32 @!p2 $0x0  }
0x1d: {  	s5 =	simm.s32 @p1 $0x1;
	p0 =	seq.s32 s7, s2  }
0x1e: {  	s7 =	smul.u32 @!p0 $0xF7A, s2;
	p2 =	seq.s32 @!p0 s5, $0x0  }
0x1f: {  	s9 =	smul.u32 $0xF7A, s1;
	s8 =	simm.s32 @!p0 $0x1BF5;
	p2 =	por !p2, p0  }
0x20: {  	[sflag:s8] =	ssyncset.s32 @!p0 $0xFFFFF086;
	s6 =	sadd.s32 @!p0 s3, s7;
	s7 =	simm.s32 @!p0 $0x108  }
0x21: {  	s3 =	sadd.s32 s3, s9;
	s6 =	sadd.s32 @!p0 $0x88, s6;
	s7 =	simm.s32 @p2 $0x1082  }
0x22: {  	[simem:s7], [sflag:s8] =	dma.local @!p0 [hbm:s6], $0xF7A  }
0x23: {  	s9 =	sor.u32 $0xD0000000, s2;
	s6 =	simm.s32 $0x108;
	_ =	swait.ge @!p0 [sflag:s8], $0x0  }
0x24: {  	s3 =	sadd.s32 $0x88, s3;
	s6 =	simm.s32 @!p1 $0x1082;
	[sflag:s4] =	ssyncset.s32 $0xFFFFF086  }
0x25: {  	[simem:s6], [sflag:s4] =	dma.local [hbm:s3], $0xF7A  }
0x26: {  	[smem:$0x3F9D] =	sst s1;
	(tag) =	ssettag s2;
	_ =	strace s9  }
0x27: {  	s1 =	sld [smem:$0x3FAD]  }
0x28: {  	s2 =	sld [smem:$0x3FAE]  }
0x29: {  	s4 =	sld [smem:$0x3FB0]  }
0x2a: {  	p0 =	seq.s32 s5, $0x0;
	s5 =	sld [smem:$0x3FB1]  }
0x2b: {  	s6 =	sld [smem:$0x3FB2]  }
0x2c: {  	s7 =	sld [smem:$0x3FB3]  }
0x2d: {  	s3 =	simm.s32 $0x108;
	s8 =	sld [smem:$0x3FB4]  }
0x2e: {  	s3 =	simm.s32 @!p0 $0x1082;
	s9 =	sld [smem:$0x3FB5]  }
0x2f: {  	lr =	sadd.s32 s0, s3;
	s0 =	sld [smem:$0x3FAC]  }
0x30: {  	s3 =	sld [smem:$0x3FAF]  }
0x31: {  	[smem:$0x3FB8] =	sst s10  }
0x32: {  	s10 =	sld [smem:$0x3FB6];
	_ =	sdelay $0x3  }
0x33: {  	p0 =	seq.s32 s10, $0x1;
	s10 =	sld [smem:$0x3FB8];
	_ =	sdelay $0x3  }
0x34: {  	[smem:$0x3FB8] =	sst s10  }
0x35: {  	s10 =	sld [smem:$0x3FB7];
	_ =	sdelay $0x3  }
0x36: {  	p1 =	seq.s32 s10, $0x1;
	s10 =	sld [smem:$0x3FB8];
	_ =	sdelay $0x3  }
0x37: {  	[smem:$0x3FB8] =	sst s10  }
0x38: {  	s10 =	sld [smem:$0x3FB9]  }
0x39: {  	_ = 	snop;
	(pc) =	sbr.ind lr, $3  }
0x3a: {  	_ = 	snop  }
0x3b: {  	_ = 	snop  }
0x3c: {  	p2 =	seq.s32 s10, $0x1;
	s10 =	sld [smem:$0x3FB8]  }
0x3d: {  	_ =	shalt  }
0x3e: {  	_ =	shalt  }
0x3f: {  	_ =	shalt  }
0x40: {  	_ =	shalt  }
0x41: {  	_ =	shalt  }
0x42: {  	_ =	shalt  }
0x43: {  	_ =	shalt  }
0x44: {  	_ =	shalt  }
0x45: {  	_ =	shalt  }
0x46: {  	_ =	shalt  }
0x47: {  	_ =	shalt  }
0x48: {  	_ =	shalt  }
0x49: {  	_ =	shalt  }
0x4a: {  	_ =	shalt  }
0x4b: {  	_ =	shalt  }
0x4c: {  	_ =	shalt  }
0x4d: {  	_ =	shalt  }
0x4e: {  	_ =	shalt  }
0x4f: {  	_ =	shalt  }
0x50: {  	_ =	shalt  }
0x51: {  	_ =	shalt  }
0x52: {  	_ =	shalt  }
0x53: {  	_ =	shalt  }
0x54: {  	_ =	shalt  }
0x55: {  	_ =	shalt  }
0x56: {  	_ =	shalt  }
0x57: {  	_ =	shalt  }
0x58: {  	_ =	shalt  }
0x59: {  	_ =	shalt  }
0x5a: {  	_ =	shalt  }
0x5b: {  	_ =	shalt  }
0x5c: {  	_ =	shalt  }
0x5d: {  	_ =	shalt  }
0x5e: {  	_ =	shalt  }
0x5f: {  	_ =	shalt  }
0x60: {  	_ =	shalt  }
0x61: {  	_ =	shalt  }
0x62: {  	_ =	shalt  }
0x63: {  	_ =	shalt  }
0x64: {  	_ =	shalt  }
0x65: {  	_ =	shalt  }
0x66: {  	_ =	shalt  }
0x67: {  	_ =	shalt  }
0x68: {  	_ =	shalt  }
0x69: {  	_ =	shalt  }
0x6a: {  	_ =	shalt  }
0x6b: {  	_ =	shalt  }
0x6c: {  	_ =	shalt  }
0x6d: {  	_ =	shalt  }
0x6e: {  	_ =	shalt  }
0x6f: {  	_ =	shalt  }
0x70: {  	_ =	shalt  }
0x71: {  	_ =	shalt  }
0x72: {  	_ =	shalt  }
0x73: {  	_ =	shalt  }
0x74: {  	_ =	shalt  }
0x75: {  	_ =	shalt  }
0x76: {  	_ =	shalt  }
0x77: {  	_ =	shalt  }
0x78: {  	_ =	shalt  }
0x79: {  	_ =	shalt  }
0x7a: {  	_ =	shalt  }
0x7b: {  	_ =	shalt  }
0x7c: {  	_ =	shalt  }
0x7d: {  	_ =	shalt  }
0x7e: {  	_ =	shalt  }
0x7f: {  	_ =	shalt  }
0x80: {  	_ =	shalt  }
0x81: {  	_ =	shalt  }
0x82: {  	_ =	shalt  }
0x83: {  	_ =	shalt  }
0x84: {  	_ =	shalt  }
0x85: {  	_ =	shalt  }
0x86: {  	_ =	shalt  }
0x87: {  	_ =	shalt  }
.Lfunc_end0:
.L_simem_size_0:
called_computation_lowered:
.L_overlay_start_0:
0x88: {  	s2 =	sld [smem:$0x3FD9]  }
0x89: {  	s3 =	sld [smem:$0x3FFE];
	_ =	sdelay $0x1  }
0x8a: {  	s1 =	srdreg.scid  }
0x8b: {  	s0 =	sand.u32 $0x1, s1  }
0x8c: {  	s17 =	sshll.u32 s0, $0xA;
	s2 =	sadd.s32 s3, s2  }
0x8d: {  	s2 =	sadd.s32 s2, s17  }
0x8e: {  	[smem:$0x3FC4] =	sst s2  }
0x8f: {  	_ = 	snop  }
0x90: {  	s2 =	sld [smem:$0x3FD0];
	(tm) =	ssettm $0x1  }
0x91: {  	s18 =	sld [smem:$0x3FFB];
	_ =	sdelay $0x3  }
0x92: {  	_ =	strace s18  }
0x93: {  	s3 =	sld [smem:$0x3FFC];
	_ =	sdelay $0x3  }
0x94: {  	_ =	strace s3  }
0x95: {  	s3 =	sld [smem:$0x3FFD];
	_ =	sdelay $0x3  }
0x96: {  	_ =	strace s3  }
0x97: {  	_ =	strace $0x8FFFFFFF  }
0x98: {  	s19 =	sld [smem:$0x3FDB];
	_ =	sdelay $0x1  }
0x99: {  	s4 =	simm.s32 $_scs_section_size  }
0x9a: {  	s5 =	simm.s32 $_size__tile_overlayer_lowered;
	s6 =	simm.s32 $_tile_overlayer_lowered  }
0x9b: {  	s22 =	simm.s32 $0x1BFF;
	s21 =	sshll.u32 s6, $0x1;
	s3 =	sadd.s32 s4, s19  }
0x9c: {  	s7 =	simm.s32 $0x0;
	s20 =	sshll.u32 s5, $0x1;
	s5 =	sadd.s32 s21, s3  }
0x9d: {  	[timem:s7], [sflag:s22] =	dma.local [hbm:s5], s20  }
0x9e: {  	_ =	swait.ge [sflag:s22], s20  }
0x9f: {  	s4 =	ssub.s32 $0x0, s20;
	[sflag:s22] =	ssyncset.done $0x0  }
0xa0: {  	[sflag:s22] =	ssyncadd.s32 s4;
	_ =	sdelay $0x1  }
0xa1: {  	s23 =	simm.s32 $0x1B8B  }
0xa2: {  	_ =	swait.ge [sflag:s23], $0x1  }
0xa3: {  	[sflag:s23] =	ssyncset.done $0x0  }
0xa4: {  	s25 =	simm.s32 $0x1B8E;
	s24 =	sld [smem:$0x3FFE];
	[sflag:s23] =	ssyncadd.s32 $0xFFFFFFFF  }
0xa5: {  	s26 =	simm.s32 $execute0_lowered;
	[smem:$0x3FD2] =	sst s25  }
0xa6: {  	s5 =	sshll.u32 s26, $0x1;
	_ =	strace $0x80000046;
	[dreg:$0x1] =	wrdreg $0xFFFFFFFF  }
0xa7: {  	s28 =	simm.s32 $_size_execute0_lowered;
	s3 =	sadd.s32 s3, s5;
	[dreg:$0x0] =	wrdreg $0x0  }
0xa8: {  	s5 =	sshll.u32 s28, $0x1;
	[dreg:$0x2] =	wrdreg s3  }
0xa9: {  	[dreg:$0x3] =	wrdreg s5  }
0xaa: {  	[dreg:$0x4] =	wrdreg $0xC0  }
0xab: {  	_ =	task [dreg:s7], $0x5FFFF  }
0xac: {  	[dreg:$0x1] =	wrdreg $0xFFFFFFFF  }
0xad: {  	[dreg:$0x0] =	wrdreg $0x60  }
0xae: {  	[dreg:$0x2] =	wrdreg s2  }
0xaf: {  	[dreg:$0x3] =	wrdreg s24  }
0xb0: {  	[dreg:$0x4] =	wrdreg $0x19C000  }
0xb1: {  	[dreg:$0x5] =	wrdreg $0x19E800  }
0xb2: {  	[dreg:$0x6] =	wrdreg $0x1A1000  }
0xb3: {  	[dreg:$0x7] =	wrdreg $0x1A3800  }
0xb4: {  	[dreg:$0x8] =	wrdreg $0x1A6000  }
0xb5: {  	[dreg:$0x9] =	wrdreg $0x9  }
0xb6: {  	_ =	task.clear_ibuf [dreg:s7], $0xAFFFF;
	_ =	strace $0x90000046  }
0xb7: {  	s29 =	simm.s32 $0x9;
	_ =	strace $0x80000048  }
0xb8: {  	_ =	swait.ge [sflag:s29], $0x1  }
0xb9: {  	[sflag:s29] =	ssyncadd.s32 $0xFFFFFFFF  }
0xba: {  	_ =	strace $0x90000048  }
0xbb: {  	_ =	sfence  }
0xbc: {  	s30 =	sld [smem:$0x0];
	_ =	sdelay $0x2  }
0xbd: {  	s31 =	sshll.u32 s1, $0xD;
	s1 =	sshrl.u32 s1, $0x2  }
0xbe: {  	s3 =	sand.u32 $0x4000, s31;
	s1 =	sadd.s32 s1, s30  }
0xbf: {  	s0 =	sor.u32 s3, s0;
	s1 =	sshll.u32 s1, $0x11  }
0xc0: {  	s0 =	sor.u32 s1, s0  }
0xc1: {  	s0 =	sadd.s32 $0x8F2B, s0  }
0xc2: {  	[sflag:s0] =	ssyncadd.remote.s32 $0x1  }
0xc3: {  	_ =	sfence.sel $0xFFFF  }
0xc4: {  	[dreg:$0x0] =	wrdreg $0xFFFFFFFF;
	(pc) =	sbr.abs _section_cstart, $3  }
0xc5: {  	[dreg:$0x1] =	wrdreg $0xFFFFFFFF  }
0xc6: {  	_ =	task.clear_ibuf [dreg:s7], $0x2FFFF;
	_ =	strace $0x9FFFFFFF  }
0xc7: {  	(tm) =	ssettm $0x7FFFFFFF  }
tec
execute0_lowered:
.L_overlay_start_1:
0x0: {  	(tag) =	ssettag $0x1  }
0x1: {  	s0 =	rddreg [dreg:$0x0]  }
0x2: {  	s4 =	rddreg [dreg:$0x1]  }
0x3: {  	s1 =	rddreg [dreg:$0x2]  }
0x4: {  	s2 =	rddreg [dreg:$0x3]  }
0x5: {  	s3 =	rddreg [dreg:$0x4]  }
0x6: {  	s16 =	rddreg [dreg:$0x5];
	s13 =	stileid.u32  }
0x7: {  	s5 =	srdreg.scid;
	s17 =	rddreg [dreg:$0x6]  }
0x8: {  	s7 =	simm.s32 $0x0;
	s21 =	simm.s32 $0x2;
	s6 =	smul.u32 $0xA00, s13  }
0x9: {  	s28 =	simm.s32 $0x1;
	s29 =	simm.s32 $0x4D80;
	s9 =	smul.u32 $0x4E80, s13  }
0xa: {  	s31 =	simm.s32 $0xFD00;
	s5 =	sand.u32 $0x1, s5;
	s15 =	smul.u32 $0x280, s13  }
0xb: {  	s22 =	simm.s32 $0x0;
	[smem:$0x7FF] =	sst s7;
	s8 =	smul.u32 $0x2740, s5  }
0xc: {  	_ =	strace $0x80000047;
	s11 =	ssub.s32 $0x2, s5;
	s20 =	smul.u32 $0x9D00, s5  }
0xd: {  	s10 =	sadd.s32 s6, s4;
	s12 =	sshrl.u32 s11, $0x1;
	s0 =	sadd.s32 s0, s6  }
0xe: {  	s13 =	sadd.s32 s15, s2;
	s14 =	sadd.s32 s15, s3;
	s26 =	sadd.s32 s15, s16  }
0xf: {  	s30 =	sadd.s32 s15, s17;
	s9 =	sadd.s32 s8, s9;
	[dreg:$0x9] =	wrdreg s0  }
0x10: {  	s23 =	ssub.s32 s11, s12;
	s24 =	sadd.s32 $0xC00, s10;
	[dreg:$0xb] =	wrdreg s26  }
0x11: {  	s25 =	sadd.s32 $0xAC00, s10;
	s12 =	sadd.s32 s15, s1;
	[dreg:$0xc] =	wrdreg s30  }
0x12: {  	s26 =	simm.s32 $0xF000;
	s0 =	simm.s32 $0x12500;
	[dreg:$0x8] =	wrdreg s24  }
0x13: {  	s9 =	sshrl.u32 s9, $0x3;
	[dreg:$0xa] =	wrdreg s25;
	s19 =	smax.u32 s23, $0x1  }
0x14: {  	s24 =	simm.s32 $0xF080;
	s25 =	simm.s32 $0x80;
	s4 =	sadd.s32 s9, s4  }
0x15: {  	v0 =	vimm.f32 $1.000000000e+00;
	v1 =	vimm.f32 $0.0e+00;
	s17 =	sadd.s32 $0x14C00, s4;
	s18 =	sadd.s32 $0x1EA00, s4;
	s4 =	simm.s32 $0x4E00  }
.LBB2_1:
0x16: {  	s5 =	rddreg [dreg:$0x8]  }
0x17: {  	[tilespmem:s7], [sflag:$0x2] =	stream.linear.gather [hbm4b:s5+s7], $0x4E80, $0x38;
	[tilespmem:$0x1A880] =	vst v63  }
0x18: {  	_ =	swait.ge [sflag:s21], $0x4E80  }
0x19: {  	[sflag:s21] =	ssyncset.done $0x0  }
0x1a: {  	s6 =	simm.s32 $0x5000;
	s15 =	rddreg [dreg:$0x9];
	[sflag:s21] =	ssyncadd.s32 $0xFFFFB180  }
0x1b: {  	[tilespmem:s6], [sflag:$0x2] =	stream.linear.gather [hbm4b:s15+s7], $0x4E80, $0x38;
	[tilespmem:$0x1A880] =	vst v63  }
0x1c: {  	_ =	swait.ge [sflag:s21], $0x4E80  }
0x1d: {  	[sflag:s21] =	ssyncset.done $0x0  }
0x1e: {  	s23 =	simm.s32 $0xA000;
	s16 =	rddreg [dreg:$0xa];
	[sflag:s21] =	ssyncadd.s32 $0xFFFFB180  }
0x1f: {  	[tilespmem:s23], [sflag:$0x2] =	stream.linear.gather [hbm4b:s16+s7], $0x4E80, $0x38;
	[tilespmem:$0x1A880] =	vst v63  }
0x20: {  	_ =	swait.ge [sflag:s21], $0x4E80  }
0x21: {  	[sflag:s21] =	ssyncset.done $0x0  }
0x22: {  	[sflag:s21] =	ssyncadd.s32 $0xFFFFB180  }
0x23: {  	[tilespmem:$0xF000] =	vst v0  }
0x24: {  	[tilespmem:$0xF010] =	vst v0  }
0x25: {  	[tilespmem:$0xF020] =	vst v0  }
0x26: {  	[tilespmem:$0xF030] =	vst v0  }
0x27: {  	[tilespmem:$0xF040] =	vst v0  }
0x28: {  	[tilespmem:$0xF050] =	vst v0  }
0x29: {  	[tilespmem:$0xF060] =	vst v0  }
0x2a: {  	[tilespmem:$0xF070] =	vst v0  }
0x2b: {  	[tilespmem:$0xF080] =	vst v1  }
0x2c: {  	[tilespmem:$0xF090] =	vst v1  }
0x2d: {  	[tilespmem:$0xF0A0] =	vst v1  }
0x2e: {  	[tilespmem:$0xF0B0] =	vst v1  }
0x2f: {  	[tilespmem:$0xF0C0] =	vst v1  }
0x30: {  	[tilespmem:$0xF0D0] =	vst v1  }
0x31: {  	[tilespmem:$0xF0E0] =	vst v1  }
0x32: {  	[tilespmem:$0xF0F0] =	vst v1  }
0x33: {  	[tilespmem:$0xF100] =	vst v1  }
0x34: {  	[tilespmem:$0xF110] =	vst v1  }
0x35: {  	[tilespmem:$0xF120] =	vst v1  }
0x36: {  	[tilespmem:$0xF130] =	vst v1  }
0x37: {  	[tilespmem:$0xF140] =	vst v1  }
0x38: {  	[tilespmem:$0xF150] =	vst v1  }
0x39: {  	[tilespmem:$0xF160] =	vst v1  }
0x3a: {  	[tilespmem:$0xF170] =	vst v1  }
0x3b: {  	[tilespmem:$0xF180] =	vst v1  }
0x3c: {  	[tilespmem:$0xF190] =	vst v1  }
0x3d: {  	[tilespmem:$0xF1A0] =	vst v1  }
0x3e: {  	[tilespmem:$0xF1B0] =	vst v1  }
0x3f: {  	[tilespmem:$0xF1C0] =	vst v1  }
0x40: {  	[tilespmem:$0xF1D0] =	vst v1  }
0x41: {  	[tilespmem:$0xF1E0] =	vst v1  }
0x42: {  	[tilespmem:$0xF1F0] =	vst v1  }
0x43: {  	[tilespmem:$0xF200] =	vst v1  }
0x44: {  	[tilespmem:$0xF210] =	vst v1  }
0x45: {  	[tilespmem:$0xF220] =	vst v1  }
0x46: {  	[tilespmem:$0xF230] =	vst v1  }
0x47: {  	[tilespmem:$0xF240] =	vst v1  }
0x48: {  	[tilespmem:$0xF250] =	vst v1  }
0x49: {  	[tilespmem:$0xF260] =	vst v1  }
0x4a: {  	[tilespmem:$0xF270] =	vst v1  }
0x4b: {  	[tilespmem:$0xF280] =	vst v1  }
0x4c: {  	[tilespmem:$0xF290] =	vst v1  }
0x4d: {  	[tilespmem:$0xF2A0] =	vst v1  }
0x4e: {  	[tilespmem:$0xF2B0] =	vst v1  }
0x4f: {  	[tilespmem:$0xF2C0] =	vst v1  }
0x50: {  	[tilespmem:$0xF2D0] =	vst v1  }
0x51: {  	[tilespmem:$0xF2E0] =	vst v1  }
0x52: {  	[tilespmem:$0xF2F0] =	vst v1  }
0x53: {  	[spmem:s12] =	stream.linear.scatter [tilespmem:s24], [sflag:$0x2], $0x280, $0x38;
	[tilespmem:$0x1A880] =	vst v63  }
0x54: {  	_ =	swait.ge [sflag:s21], $0x280  }
0x55: {  	[sflag:s21] =	ssyncset.done $0x0  }
0x56: {  	[sflag:s21] =	ssyncadd.s32 $0xFFFFFD80  }
0x57: {  	[spmem:s13] =	stream.linear.scatter [tilespmem:s24], [sflag:$0x2], $0x280, $0x38;
	[tilespmem:$0x1A880] =	vst v63  }
0x58: {  	_ =	swait.ge [sflag:s21], $0x280  }
0x59: {  	[sflag:s21] =	ssyncset.done $0x0  }
0x5a: {  	[sflag:s21] =	ssyncadd.s32 $0xFFFFFD80  }
0x5b: {  	[spmem:s14] =	stream.linear.scatter [tilespmem:s24], [sflag:$0x2], $0x280, $0x38;
	[tilespmem:$0x1A880] =	vst v63  }
0x5c: {  	_ =	swait.ge [sflag:s21], $0x280  }
0x5d: {  	[sflag:s21] =	ssyncset.done $0x0  }
0x5e: {  	[sflag:s21] =	ssyncadd.s32 $0xFFFFFD80  }
0x5f: {  	s30 =	simm.s32 $0x0;
	s9 =	simm.s32 $0x5000;
	[bflag:$0x0] =	sbarrier.arrive $0xFFFF  }
0x60: {  	[spmem:s1] =	stream.indirect.scatter.add.f32 [tilespmem:s9], [sflag:$0x1], $0x1, s30, s25, $0xb8;
	[tilespmem:$0x1A880] =	vst v63  }
0x61: {  	s10 =	simm.s32 $0xA000  }
0x62: {  	[spmem:s2] =	stream.indirect.scatter.add.f32 [tilespmem:s10], [sflag:$0x1], $0x1, s30, s25, $0xb8;
	[tilespmem:$0x1A880] =	vst v63  }
0x63: {  	_ = 	snop  }
0x64: {  	[spmem:s3] =	stream.indirect.scatter.add.f32 [tilespmem:s26], [sflag:$0x1], $0x1, s30, s25, $0xb8;
	[tilespmem:$0x1A880] =	vst v63  }
0x65: {  	s11 =	simm.s32 $0x5080;
	s15 =	simm.s32 $0x80  }
0x66: {  	[spmem:s1] =	stream.indirect.scatter.add.f32 [tilespmem:s11], [sflag:$0x1], $0x1, s15, s25, $0xb8;
	[tilespmem:$0x1A880] =	vst v63  }
0x67: {  	s16 =	simm.s32 $0xA080  }
0x68: {  	[spmem:s2] =	stream.indirect.scatter.add.f32 [tilespmem:s16], [sflag:$0x1], $0x1, s15, s25, $0xb8;
	[tilespmem:$0x1A880] =	vst v63  }
0x69: {  	_ = 	snop  }
0x6a: {  	[spmem:s3] =	stream.indirect.scatter.add.f32 [tilespmem:s26], [sflag:$0x1], $0x1, s15, s25, $0xb8;
	[tilespmem:$0x1A880] =	vst v63  }
0x6b: {  	s23 =	simm.s32 $0x5100;
	s30 =	simm.s32 $0x100  }
0x6c: {  	[spmem:s1] =	stream.indirect.scatter.add.f32 [tilespmem:s23], [sflag:$0x1], $0x1, s30, s25, $0xb8;
	[tilespmem:$0x1A880] =	vst v63  }
0x6d: {  	s9 =	simm.s32 $0xA100  }
0x6e: {  	[spmem:s2] =	stream.indirect.scatter.add.f32 [tilespmem:s9], [sflag:$0x1], $0x1, s30, s25, $0xb8;
	[tilespmem:$0x1A880] =	vst v63  }
0x6f: {  	_ = 	snop  }
0x70: {  	[spmem:s3] =	stream.indirect.scatter.add.f32 [tilespmem:s26], [sflag:$0x1], $0x1, s30, s25, $0xb8;
	[tilespmem:$0x1A880] =	vst v63  }
0x71: {  	s10 =	simm.s32 $0x5180;
	s11 =	simm.s32 $0x180  }
0x72: {  	[spmem:s1] =	stream.indirect.scatter.add.f32 [tilespmem:s10], [sflag:$0x1], $0x1, s11, s25, $0xb8;
	[tilespmem:$0x1A880] =	vst v63  }
0x73: {  	s15 =	simm.s32 $0xA180  }
0x74: {  	[spmem:s2] =	stream.indirect.scatter.add.f32 [tilespmem:s15], [sflag:$0x1], $0x1, s11, s25, $0xb8;
	[tilespmem:$0x1A880] =	vst v63  }
0x75: {  	_ = 	snop  }
0x76: {  	[spmem:s3] =	stream.indirect.scatter.add.f32 [tilespmem:s26], [sflag:$0x1], $0x1, s11, s25, $0xb8;
	[tilespmem:$0x1A880] =	vst v63  }
0x77: {  	s16 =	simm.s32 $0x5200;
	s23 =	simm.s32 $0x200  }
0x78: {  	[spmem:s1] =	stream.indirect.scatter.add.f32 [tilespmem:s16], [sflag:$0x1], $0x1, s23, s25, $0xb8;
	[tilespmem:$0x1A880] =	vst v63  }
0x79: {  	s30 =	simm.s32 $0xA200  }
0x7a: {  	[spmem:s2] =	stream.indirect.scatter.add.f32 [tilespmem:s30], [sflag:$0x1], $0x1, s23, s25, $0xb8;
	[tilespmem:$0x1A880] =	vst v63  }
0x7b: {  	_ = 	snop  }
0x7c: {  	[spmem:s3] =	stream.indirect.scatter.add.f32 [tilespmem:s26], [sflag:$0x1], $0x1, s23, s25, $0xb8;
	[tilespmem:$0x1A880] =	vst v63  }
0x7d: {  	_ =	swait.ge [sflag:s28], $0x80  }
0x7e: {  	[sflag:s28] =	ssyncset.done $0x0  }
0x7f: {  	[sflag:s28] =	ssyncadd.s32 $0xFFFFFF80  }
0x80: {  	_ =	swait.ge [sflag:s28], $0x80  }
0x81: {  	[sflag:s28] =	ssyncset.done $0x0  }
0x82: {  	[sflag:s28] =	ssyncadd.s32 $0xFFFFFF80  }
0x83: {  	_ =	swait.ge [sflag:s28], $0x80  }
0x84: {  	[sflag:s28] =	ssyncset.done $0x0  }
0x85: {  	[sflag:s28] =	ssyncadd.s32 $0xFFFFFF80  }
0x86: {  	_ =	swait.ge [sflag:s28], $0x80  }
0x87: {  	[sflag:s28] =	ssyncset.done $0x0  }
0x88: {  	[sflag:s28] =	ssyncadd.s32 $0xFFFFFF80  }
0x89: {  	_ =	swait.ge [sflag:s28], $0x80  }
0x8a: {  	[sflag:s28] =	ssyncset.done $0x0  }
0x8b: {  	[sflag:s28] =	ssyncadd.s32 $0xFFFFFF80  }
0x8c: {  	_ =	swait.ge [sflag:s28], $0x80  }
0x8d: {  	[sflag:s28] =	ssyncset.done $0x0  }
0x8e: {  	[sflag:s28] =	ssyncadd.s32 $0xFFFFFF80  }
0x8f: {  	_ =	swait.ge [sflag:s28], $0x80  }
0x90: {  	[sflag:s28] =	ssyncset.done $0x0  }
0x91: {  	[sflag:s28] =	ssyncadd.s32 $0xFFFFFF80  }
0x92: {  	_ =	swait.ge [sflag:s28], $0x80  }
0x93: {  	[sflag:s28] =	ssyncset.done $0x0  }
0x94: {  	[sflag:s28] =	ssyncadd.s32 $0xFFFFFF80  }
0x95: {  	_ =	swait.ge [sflag:s28], $0x80  }
0x96: {  	[sflag:s28] =	ssyncset.done $0x0  }
0x97: {  	[sflag:s28] =	ssyncadd.s32 $0xFFFFFF80  }
0x98: {  	_ =	swait.ge [sflag:s28], $0x80  }
0x99: {  	[sflag:s28] =	ssyncset.done $0x0  }
0x9a: {  	[sflag:s28] =	ssyncadd.s32 $0xFFFFFF80  }
0x9b: {  	_ =	swait.ge [sflag:s28], $0x80  }
0x9c: {  	[sflag:s28] =	ssyncset.done $0x0  }
0x9d: {  	[sflag:s28] =	ssyncadd.s32 $0xFFFFFF80  }
0x9e: {  	_ =	swait.ge [sflag:s28], $0x80  }
0x9f: {  	[sflag:s28] =	ssyncset.done $0x0  }
0xa0: {  	[sflag:s28] =	ssyncadd.s32 $0xFFFFFF80  }
0xa1: {  	_ =	swait.ge [sflag:s28], $0x80  }
0xa2: {  	[sflag:s28] =	ssyncset.done $0x0  }
0xa3: {  	[sflag:s28] =	ssyncadd.s32 $0xFFFFFF80  }
0xa4: {  	_ =	swait.ge [sflag:s28], $0x80  }
0xa5: {  	[sflag:s28] =	ssyncset.done $0x0  }
0xa6: {  	[sflag:s28] =	ssyncadd.s32 $0xFFFFFF80  }
0xa7: {  	_ =	swait.ge [sflag:s28], $0x80  }
0xa8: {  	s9 =	simm.s32 $0x280;
	s10 =	simm.s32 $0x1400;
	[sflag:s28] =	ssyncset.done $0x0  }
.LBB2_2:
0xa9: {  	s11 =	sadd.s32 $0x5000, s9  }
0xaa: {  	[sflag:s28] =	ssyncadd.s32 $0xFFFFFF80;
	s6 =	smov.u32 s10;
	s5 =	sadd.s32 $0xA00, s10  }
0xab: {  	[spmem:s1] =	stream.indirect.scatter.add.f32 [tilespmem:s11], [sflag:$0x1], $0x1, s9, s25, $0xb8;
	[tilespmem:$0x1A880] =	vst v63  }
0xac: {  	p0 =	sne.s32 s10, $0x12C00;
	s10 =	sadd.s32 $0xA000, s9  }
0xad: {  	[spmem:s2] =	stream.indirect.scatter.add.f32 [tilespmem:s10], [sflag:$0x1], $0x1, s9, s25, $0xb8;
	[tilespmem:$0x1A880] =	vst v63  }
0xae: {  	_ = 	snop  }
0xaf: {  	[spmem:s3] =	stream.indirect.scatter.add.f32 [tilespmem:s26], [sflag:$0x1], $0x1, s9, s25, $0xb8;
	[tilespmem:$0x1A880] =	vst v63  }
0xb0: {  	s11 =	sadd.s32 $0x80, s9;
	s10 =	sadd.s32 $0x5080, s9  }
0xb1: {  	[spmem:s1] =	stream.indirect.scatter.add.f32 [tilespmem:s10], [sflag:$0x1], $0x1, s11, s25, $0xb8;
	[tilespmem:$0x1A880] =	vst v63  }
0xb2: {  	s10 =	sadd.s32 $0xA080, s9  }
0xb3: {  	[spmem:s2] =	stream.indirect.scatter.add.f32 [tilespmem:s10], [sflag:$0x1], $0x1, s11, s25, $0xb8;
	[tilespmem:$0x1A880] =	vst v63  }
0xb4: {  	_ = 	snop  }
0xb5: {  	[spmem:s3] =	stream.indirect.scatter.add.f32 [tilespmem:s26], [sflag:$0x1], $0x1, s11, s25, $0xb8;
	[tilespmem:$0x1A880] =	vst v63  }
0xb6: {  	s10 =	sadd.s32 $0x5100, s9;
	s11 =	sadd.s32 $0x100, s9  }
0xb7: {  	[spmem:s1] =	stream.indirect.scatter.add.f32 [tilespmem:s10], [sflag:$0x1], $0x1, s11, s25, $0xb8;
	[tilespmem:$0x1A880] =	vst v63  }
0xb8: {  	s10 =	sadd.s32 $0xA100, s9  }
0xb9: {  	[spmem:s2] =	stream.indirect.scatter.add.f32 [tilespmem:s10], [sflag:$0x1], $0x1, s11, s25, $0xb8;
	[tilespmem:$0x1A880] =	vst v63  }
0xba: {  	_ = 	snop  }
0xbb: {  	[spmem:s3] =	stream.indirect.scatter.add.f32 [tilespmem:s26], [sflag:$0x1], $0x1, s11, s25, $0xb8;
	[tilespmem:$0x1A880] =	vst v63  }
0xbc: {  	s10 =	sadd.s32 $0x5180, s9;
	s11 =	sadd.s32 $0x180, s9  }
0xbd: {  	[spmem:s1] =	stream.indirect.scatter.add.f32 [tilespmem:s10], [sflag:$0x1], $0x1, s11, s25, $0xb8;
	[tilespmem:$0x1A880] =	vst v63  }
0xbe: {  	s10 =	sadd.s32 $0xA180, s9  }
0xbf: {  	[spmem:s2] =	stream.indirect.scatter.add.f32 [tilespmem:s10], [sflag:$0x1], $0x1, s11, s25, $0xb8;
	[tilespmem:$0x1A880] =	vst v63  }
0xc0: {  	_ = 	snop  }
0xc1: {  	[spmem:s3] =	stream.indirect.scatter.add.f32 [tilespmem:s26], [sflag:$0x1], $0x1, s11, s25, $0xb8;
	[tilespmem:$0x1A880] =	vst v63  }
0xc2: {  	s10 =	sadd.s32 $0x5200, s9;
	s11 =	sadd.s32 $0x200, s9  }
0xc3: {  	[spmem:s1] =	stream.indirect.scatter.add.f32 [tilespmem:s10], [sflag:$0x1], $0x1, s11, s25, $0xb8;
	[tilespmem:$0x1A880] =	vst v63  }
0xc4: {  	s9 =	sadd.s32 $0xA200, s9  }
0xc5: {  	[spmem:s2] =	stream.indirect.scatter.add.f32 [tilespmem:s9], [sflag:$0x1], $0x1, s11, s25, $0xb8;
	[tilespmem:$0x1A880] =	vst v63  }
0xc6: {  	_ = 	snop  }
0xc7: {  	[spmem:s3] =	stream.indirect.scatter.add.f32 [tilespmem:s26], [sflag:$0x1], $0x1, s11, s25, $0xb8;
	[tilespmem:$0x1A880] =	vst v63  }
0xc8: {  	_ =	swait.ge [sflag:s28], $0x80  }
0xc9: {  	[sflag:s28] =	ssyncset.done $0x0  }
0xca: {  	[sflag:s28] =	ssyncadd.s32 $0xFFFFFF80  }
0xcb: {  	_ =	swait.ge [sflag:s28], $0x80  }
0xcc: {  	[sflag:s28] =	ssyncset.done $0x0  }
0xcd: {  	[sflag:s28] =	ssyncadd.s32 $0xFFFFFF80  }
0xce: {  	_ =	swait.ge [sflag:s28], $0x80  }
0xcf: {  	[sflag:s28] =	ssyncset.done $0x0  }
0xd0: {  	[sflag:s28] =	ssyncadd.s32 $0xFFFFFF80  }
0xd1: {  	_ =	swait.ge [sflag:s28], $0x80  }
0xd2: {  	[sflag:s28] =	ssyncset.done $0x0  }
0xd3: {  	[sflag:s28] =	ssyncadd.s32 $0xFFFFFF80  }
0xd4: {  	_ =	swait.ge [sflag:s28], $0x80  }
0xd5: {  	[sflag:s28] =	ssyncset.done $0x0  }
0xd6: {  	[sflag:s28] =	ssyncadd.s32 $0xFFFFFF80  }
0xd7: {  	_ =	swait.ge [sflag:s28], $0x80  }
0xd8: {  	[sflag:s28] =	ssyncset.done $0x0  }
0xd9: {  	[sflag:s28] =	ssyncadd.s32 $0xFFFFFF80  }
0xda: {  	_ =	swait.ge [sflag:s28], $0x80  }
0xdb: {  	[sflag:s28] =	ssyncset.done $0x0  }
0xdc: {  	[sflag:s28] =	ssyncadd.s32 $0xFFFFFF80  }
0xdd: {  	_ =	swait.ge [sflag:s28], $0x80  }
0xde: {  	[sflag:s28] =	ssyncset.done $0x0  }
0xdf: {  	[sflag:s28] =	ssyncadd.s32 $0xFFFFFF80  }
0xe0: {  	_ =	swait.ge [sflag:s28], $0x80  }
0xe1: {  	[sflag:s28] =	ssyncset.done $0x0  }
0xe2: {  	[sflag:s28] =	ssyncadd.s32 $0xFFFFFF80  }
0xe3: {  	_ =	swait.ge [sflag:s28], $0x80  }
0xe4: {  	[sflag:s28] =	ssyncset.done $0x0  }
0xe5: {  	[sflag:s28] =	ssyncadd.s32 $0xFFFFFF80  }
0xe6: {  	_ =	swait.ge [sflag:s28], $0x80  }
0xe7: {  	[sflag:s28] =	ssyncset.done $0x0  }
0xe8: {  	[sflag:s28] =	ssyncadd.s32 $0xFFFFFF80  }
0xe9: {  	_ =	swait.ge [sflag:s28], $0x80  }
0xea: {  	[sflag:s28] =	ssyncset.done $0x0  }
0xeb: {  	[sflag:s28] =	ssyncadd.s32 $0xFFFFFF80  }
0xec: {  	_ =	swait.ge [sflag:s28], $0x80  }
0xed: {  	[sflag:s28] =	ssyncset.done $0x0  }
0xee: {  	[sflag:s28] =	ssyncadd.s32 $0xFFFFFF80  }
.Ltmp0:
0xef: {  	_ =	swait.ge [sflag:s28], $0x80;
	(pc) =	sbr.rel @p0 .LBB2_2-.Ltmp0, $4  }
0xf0: {  	[sflag:s28] =	ssyncset.done $0x0  }
0xf1: {  	[sflag:s28] =	ssyncadd.s32 $0xFFFFFF80  }
0xf2: {  	_ =	swait.ge [sflag:s28], $0x80  }
0xf3: {  	s10 =	smov.u32 s5;
	s9 =	sshra.s32 s6, $0x2;
	[sflag:s28] =	ssyncset.done $0x0  }
0xf4: {  	s5 =	sadd.s32 $0x5000, s9;
	[sflag:s28] =	ssyncadd.s32 $0xFFFFFF80  }
0xf5: {  	[spmem:s1] =	stream.indirect.scatter.add.f32 [tilespmem:s5], [sflag:$0x1], $0x1, s9, s25, $0xb8;
	[tilespmem:$0x1A880] =	vst v63  }
0xf6: {  	s6 =	sadd.s32 $0xA000, s9  }
0xf7: {  	[spmem:s2] =	stream.indirect.scatter.add.f32 [tilespmem:s6], [sflag:$0x1], $0x1, s9, s25, $0xb8;
	[tilespmem:$0x1A880] =	vst v63  }
0xf8: {  	_ = 	snop  }
0xf9: {  	[spmem:s3] =	stream.indirect.scatter.add.f32 [tilespmem:s26], [sflag:$0x1], $0x1, s9, s25, $0xb8;
	[tilespmem:$0x1A880] =	vst v63  }
0xfa: {  	s10 =	sadd.s32 $0x5080, s9;
	s6 =	sadd.s32 $0x80, s9  }
0xfb: {  	[spmem:s1] =	stream.indirect.scatter.add.f32 [tilespmem:s10], [sflag:$0x1], $0x1, s6, s25, $0xb8;
	[tilespmem:$0x1A880] =	vst v63  }
0xfc: {  	s11 =	sadd.s32 $0xA080, s9  }
0xfd: {  	[spmem:s2] =	stream.indirect.scatter.add.f32 [tilespmem:s11], [sflag:$0x1], $0x1, s6, s25, $0xb8;
	[tilespmem:$0x1A880] =	vst v63  }
0xfe: {  	_ = 	snop  }
0xff: {  	[spmem:s3] =	stream.indirect.scatter.add.f32 [tilespmem:s26], [sflag:$0x1], $0x1, s6, s25, $0xb8;
	[tilespmem:$0x1A880] =	vst v63  }
0x100: {  	s15 =	sadd.s32 $0x5100, s9;
	s16 =	sadd.s32 $0x100, s9  }
0x101: {  	[spmem:s1] =	stream.indirect.scatter.add.f32 [tilespmem:s15], [sflag:$0x1], $0x1, s16, s25, $0xb8;
	[tilespmem:$0x1A880] =	vst v63  }
0x102: {  	s23 =	sadd.s32 $0xA100, s9  }
0x103: {  	[spmem:s2] =	stream.indirect.scatter.add.f32 [tilespmem:s23], [sflag:$0x1], $0x1, s16, s25, $0xb8;
	[tilespmem:$0x1A880] =	vst v63  }
0x104: {  	_ = 	snop  }
0x105: {  	[spmem:s3] =	stream.indirect.scatter.add.f32 [tilespmem:s26], [sflag:$0x1], $0x1, s16, s25, $0xb8;
	[tilespmem:$0x1A880] =	vst v63  }
0x106: {  	s10 =	sadd.s32 $0x180, s9;
	s6 =	sadd.s32 $0x5180, s9  }
0x107: {  	[spmem:s1] =	stream.indirect.scatter.add.f32 [tilespmem:s6], [sflag:$0x1], $0x1, s10, s25, $0xb8;
	[tilespmem:$0x1A880] =	vst v63  }
0x108: {  	s11 =	sadd.s32 $0xA180, s9  }
0x109: {  	[spmem:s2] =	stream.indirect.scatter.add.f32 [tilespmem:s11], [sflag:$0x1], $0x1, s10, s25, $0xb8;
	[tilespmem:$0x1A880] =	vst v63  }
0x10a: {  	_ = 	snop  }
0x10b: {  	[spmem:s3] =	stream.indirect.scatter.add.f32 [tilespmem:s26], [sflag:$0x1], $0x1, s10, s25, $0xb8;
	[tilespmem:$0x1A880] =	vst v63  }
0x10c: {  	s15 =	sadd.s32 $0x5200, s9;
	s16 =	sadd.s32 $0x200, s9  }
0x10d: {  	[spmem:s1] =	stream.indirect.scatter.add.f32 [tilespmem:s15], [sflag:$0x1], $0x1, s16, s25, $0xb8;
	[tilespmem:$0x1A880] =	vst v63  }
0x10e: {  	s23 =	sadd.s32 $0xA200, s9  }
0x10f: {  	[spmem:s2] =	stream.indirect.scatter.add.f32 [tilespmem:s23], [sflag:$0x1], $0x1, s16, s25, $0xb8;
	[tilespmem:$0x1A880] =	vst v63  }
0x110: {  	_ = 	snop  }
0x111: {  	[spmem:s3] =	stream.indirect.scatter.add.f32 [tilespmem:s26], [sflag:$0x1], $0x1, s16, s25, $0xb8;
	[tilespmem:$0x1A880] =	vst v63  }
0x112: {  	_ =	swait.ge [sflag:s28], $0x80  }
0x113: {  	[sflag:s28] =	ssyncset.done $0x0  }
0x114: {  	[sflag:s28] =	ssyncadd.s32 $0xFFFFFF80  }
0x115: {  	_ =	swait.ge [sflag:s28], $0x80  }
0x116: {  	[sflag:s28] =	ssyncset.done $0x0  }
0x117: {  	[sflag:s28] =	ssyncadd.s32 $0xFFFFFF80  }
0x118: {  	_ =	swait.ge [sflag:s28], $0x80  }
0x119: {  	[sflag:s28] =	ssyncset.done $0x0  }
0x11a: {  	[sflag:s28] =	ssyncadd.s32 $0xFFFFFF80  }
0x11b: {  	_ =	swait.ge [sflag:s28], $0x80  }
0x11c: {  	[sflag:s28] =	ssyncset.done $0x0  }
0x11d: {  	[sflag:s28] =	ssyncadd.s32 $0xFFFFFF80  }
0x11e: {  	_ =	swait.ge [sflag:s28], $0x80  }
0x11f: {  	[sflag:s28] =	ssyncset.done $0x0  }
0x120: {  	[sflag:s28] =	ssyncadd.s32 $0xFFFFFF80  }
0x121: {  	_ =	swait.ge [sflag:s28], $0x80  }
0x122: {  	[sflag:s28] =	ssyncset.done $0x0  }
0x123: {  	[sflag:s28] =	ssyncadd.s32 $0xFFFFFF80  }
0x124: {  	_ =	swait.ge [sflag:s28], $0x80  }
0x125: {  	[sflag:s28] =	ssyncset.done $0x0  }
0x126: {  	[sflag:s28] =	ssyncadd.s32 $0xFFFFFF80  }
0x127: {  	_ =	swait.ge [sflag:s28], $0x80  }
0x128: {  	[sflag:s28] =	ssyncset.done $0x0  }
0x129: {  	[sflag:s28] =	ssyncadd.s32 $0xFFFFFF80  }
0x12a: {  	_ =	swait.ge [sflag:s28], $0x80  }
0x12b: {  	[sflag:s28] =	ssyncset.done $0x0  }
0x12c: {  	[sflag:s28] =	ssyncadd.s32 $0xFFFFFF80  }
0x12d: {  	_ =	swait.ge [sflag:s28], $0x80  }
0x12e: {  	[sflag:s28] =	ssyncset.done $0x0  }
0x12f: {  	[sflag:s28] =	ssyncadd.s32 $0xFFFFFF80  }
0x130: {  	_ =	swait.ge [sflag:s28], $0x80  }
0x131: {  	[sflag:s28] =	ssyncset.done $0x0  }
0x132: {  	[sflag:s28] =	ssyncadd.s32 $0xFFFFFF80  }
0x133: {  	_ =	swait.ge [sflag:s28], $0x80  }
0x134: {  	[sflag:s28] =	ssyncset.done $0x0  }
0x135: {  	[sflag:s28] =	ssyncadd.s32 $0xFFFFFF80  }
0x136: {  	_ =	swait.ge [sflag:s28], $0x80  }
0x137: {  	[sflag:s28] =	ssyncset.done $0x0  }
0x138: {  	[sflag:s28] =	ssyncadd.s32 $0xFFFFFF80  }
0x139: {  	_ =	swait.ge [sflag:s28], $0x80  }
0x13a: {  	[sflag:s28] =	ssyncset.done $0x0  }
0x13b: {  	[sflag:s28] =	ssyncadd.s32 $0xFFFFFF80  }
0x13c: {  	_ =	swait.ge [sflag:s28], $0x80  }
0x13d: {  	[sflag:s28] =	ssyncset.done $0x0  }
0x13e: {  	s9 =	simm.s32 $0x9D80;
	[sflag:s28] =	ssyncadd.s32 $0xFFFFFF80  }
0x13f: {  	[spmem:s1] =	stream.indirect.scatter.add.f32 [tilespmem:s9], [sflag:$0x1], $0x1, s29, s25, $0xb8;
	[tilespmem:$0x1A880] =	vst v63  }
0x140: {  	s10 =	simm.s32 $0xED80  }
0x141: {  	[spmem:s2] =	stream.indirect.scatter.add.f32 [tilespmem:s10], [sflag:$0x1], $0x1, s29, s25, $0xb8;
	[tilespmem:$0x1A880] =	vst v63  }
0x142: {  	_ = 	snop  }
0x143: {  	[spmem:s3] =	stream.indirect.scatter.add.f32 [tilespmem:s26], [sflag:$0x1], $0x1, s29, s25, $0xb8;
	[tilespmem:$0x1A880] =	vst v63  }
0x144: {  	s11 =	simm.s32 $0x9E00  }
0x145: {  	[spmem:s1] =	stream.indirect.scatter.add.f32 [tilespmem:s11], [sflag:$0x1], $0x1, s4, s25, $0xb8;
	[tilespmem:$0x1A880] =	vst v63  }
0x146: {  	s15 =	simm.s32 $0xEE00  }
0x147: {  	[spmem:s2] =	stream.indirect.scatter.add.f32 [tilespmem:s15], [sflag:$0x1], $0x1, s4, s25, $0xb8;
	[tilespmem:$0x1A880] =	vst v63  }
0x148: {  	_ = 	snop  }
0x149: {  	[spmem:s3] =	stream.indirect.scatter.add.f32 [tilespmem:s26], [sflag:$0x1], $0x1, s4, s25, $0xb8;
	[tilespmem:$0x1A880] =	vst v63  }
0x14a: {  	_ =	swait.ge [sflag:s28], $0x80  }
0x14b: {  	[sflag:s28] =	ssyncset.done $0x0  }
0x14c: {  	[sflag:s28] =	ssyncadd.s32 $0xFFFFFF80  }
0x14d: {  	_ =	swait.ge [sflag:s28], $0x80  }
0x14e: {  	[sflag:s28] =	ssyncset.done $0x0  }
0x14f: {  	[sflag:s28] =	ssyncadd.s32 $0xFFFFFF80  }
0x150: {  	_ =	swait.ge [sflag:s28], $0x80  }
0x151: {  	[sflag:s28] =	ssyncset.done $0x0  }
0x152: {  	[sflag:s28] =	ssyncadd.s32 $0xFFFFFF80  }
0x153: {  	_ =	swait.ge [sflag:s28], $0x80  }
0x154: {  	[sflag:s28] =	ssyncset.done $0x0  }
0x155: {  	[sflag:s28] =	ssyncadd.s32 $0xFFFFFF80  }
0x156: {  	_ =	swait.ge [sflag:s28], $0x80  }
0x157: {  	[sflag:s28] =	ssyncset.done $0x0  }
0x158: {  	[sflag:s28] =	ssyncadd.s32 $0xFFFFFF80  }
0x159: {  	_ =	swait.ge [sflag:s28], $0x80  }
0x15a: {  	[sflag:s28] =	ssyncset.done $0x0  }
0x15b: {  	[sflag:s28] =	ssyncadd.s32 $0xFFFFFF80  }
0x15c: {  	[bflag:$0x0] =	sbarrier.arrive $0xFFFF  }
0x15d: {  	[tilespmem:s24], [sflag:$0x2] =	stream.linear.gather [spmem:s12], $0x280, $0x38;
	[tilespmem:$0x1A880] =	vst v63  }
0x15e: {  	_ =	swait.ge [sflag:s21], $0x280  }
0x15f: {  	[sflag:s21] =	ssyncset.done $0x0  }
0x160: {  	s16 =	simm.s32 $0xF300;
	[sflag:s21] =	ssyncadd.s32 $0xFFFFFD80  }
0x161: {  	[tilespmem:s16], [sflag:$0x2] =	stream.linear.gather [spmem:s13], $0x280, $0x38;
	[tilespmem:$0x1A880] =	vst v63  }
0x162: {  	_ =	swait.ge [sflag:s21], $0x280  }
0x163: {  	[sflag:s21] =	ssyncset.done $0x0  }
0x164: {  	s23 =	simm.s32 $0xF580;
	[sflag:s21] =	ssyncadd.s32 $0xFFFFFD80  }
0x165: {  	[tilespmem:s23], [sflag:$0x2] =	stream.linear.gather [spmem:s14], $0x280, $0x38;
	[tilespmem:$0x1A880] =	vst v63  }
0x166: {  	_ =	swait.ge [sflag:s21], $0x280  }
0x167: {  	[sflag:s21] =	ssyncset.done $0x0  }
0x168: {  	s10 =	simm.s32 $0x0;
	[sflag:s21] =	ssyncadd.s32 $0xFFFFFD80  }
0x169: {  	v2 =	vld [tilespmem:s10+$0xF580];
	_ =	sdelay $0x4  }
0x16a: {  	v2 =	vmul.f32 $1.280000000e+02, v2;
	_ =	sdelay $0x1  }
0x16b: {  	s9 =	simm.s32 $0x10;
	v3 =	vmax.f32 v2, $1.000000000e+00  }
0x16c: {  	(erf) = vrcp.f32 v3;
	v3 =	vld [tilespmem:s9+$0xF580];
	_ =	sdelay $0x4  }
0x16d: {  	v3 =	vmul.f32 $1.280000000e+02, v3  }
0x16e: {  	v4 =	vld [tilespmem:s10+$0xF080]  }
0x16f: {  	v5 =	vadd.f32 $-1.000000000e+00, v2;
	v6 =	vmax.f32 v3, $1.000000000e+00;
	_ =	sdelay $0x1  }
0x170: {  	v5 =	vmax.f32 v5, $1.000000000e+00;
	(erf) = vrcp.f32 v6  }
0x171: {  	s23 =	simm.s32 $0x20;
	(erf) = vrcp.f32 v5;
	v6 =	vpop (erf)  }
0x172: {  	v5 =	vld [tilespmem:s23+$0xF580];
	v4 =	vmul.f32 v6, v4  }
0x173: {  	v6 =	vld [tilespmem:s10+$0xF300]  }
0x174: {  	v2 =	vmul.f32 v4, v2;
	_ =	sdelay $0x1  }
0x175: {  	[tilespmem:s10+$0xF800] =	vst v4;
	v2 =	vmul.f32 v2, v4  }
0x176: {  	v4 =	vmul.f32 $1.280000000e+02, v5;
	v5 =	vld [tilespmem:s9+$0xF080]  }
0x177: {  	v2 =	vsub.f32 v6, v2  }
0x178: {  	v6 =	vadd.f32 $-1.000000000e+00, v3;
	v7 =	vpop (erf)  }
0x179: {  	v8 =	vmax.f32 v4, $1.000000000e+00;
	v9 =	vpop (erf);
	v2 =	vmax.f32 v2, $0.0e+00  }
0x17a: {  	s30 =	simm.s32 $0x30;
	(erf) = vrcp.f32 v8;
	v6 =	vmax.f32 v6, $1.000000000e+00;
	v2 =	vmul.f32 v2, v9  }
0x17b: {  	(erf) = vrcp.f32 v6;
	v6 =	vld [tilespmem:s30+$0xF580];
	v5 =	vmul.f32 v7, v5;
	_ =	sdelay $0x1  }
0x17c: {  	v8 =	vmax.f32 v2, $1.000000000e-30;
	v3 =	vmul.f32 v5, v3  }
0x17d: {  	v2 =	vld [tilespmem:s9+$0xF300];
	v7 =	vshrl.u32 v8, $0x1;
	v9 =	vmul.f32 $-5.000000000e-01, v8  }
0x17e: {  	v7 =	vsub.s32 $0x5F3759DF, v7;
	v3 =	vmul.f32 v3, v5  }
0x17f: {  	[tilespmem:s9+$0xF800] =	vst v5;
	v5 =	vadd.f32 $-1.000000000e+00, v4;
	v10 =	vmul.f32 v7, v9;
	v6 =	vmul.f32 $1.280000000e+02, v6;
	_ =	sdelay $0x1  }
0x180: {  	v11 =	vld [tilespmem:s23+$0xF080];
	v10 =	vmul.f32 v7, v10;
	v12 =	vmax.f32 v6, $1.000000000e+00  }
0x181: {  	v2 =	vsub.f32 v2, v3  }
0x182: {  	s5 =	simm.s32 $0x40;
	v3 =	vmax.f32 v5, $1.000000000e+00;
	v5 =	vpop (erf);
	(erf) = vrcp.f32 v12;
	v10 =	vadd.f32 $1.500000000e+00, v10  }
0x183: {  	v2 =	vmax.f32 v2, $0.0e+00;
	v12 =	vpop (erf);
	(erf) = vrcp.f32 v3;
	v3 =	vld [tilespmem:s5+$0xF580]  }
0x184: {  	v2 =	vmul.f32 v2, v12;
	v7 =	vmul.f32 v7, v10  }
0x185: {  	v5 =	vmul.f32 v5, v11  }
0x186: {  	v18 =	vmax.f32 v2, $1.000000000e-30;
	v10 =	vmul.f32 v7, v9  }
0x187: {  	v4 =	vmul.f32 v5, v4;
	v2 =	vld [tilespmem:s23+$0xF300];
	v11 =	vshrl.u32 v18, $0x1;
	v12 =	vmul.f32 $-5.000000000e-01, v18  }
0x188: {  	v11 =	vsub.s32 $0x5F3759DF, v11;
	v13 =	vmul.f32 $1.280000000e+02, v3;
	v3 =	vmul.f32 v10, v7  }
0x189: {  	v10 =	vmul.f32 v11, v12  }
0x18a: {  	[tilespmem:s23+$0xF800] =	vst v5;
	v4 =	vmul.f32 v4, v5;
	v3 =	vadd.f32 $1.500000000e+00, v3  }
0x18b: {  	v14 =	vld [tilespmem:s30+$0xF080];
	v5 =	vadd.f32 $-1.000000000e+00, v6  }
0x18c: {  	v15 =	vmax.f32 v13, $1.000000000e+00;
	v2 =	vsub.f32 v2, v4;
	v4 =	vmul.f32 v11, v10  }
0x18d: {  	s6 =	simm.s32 $0x50;
	v5 =	vmax.f32 v5, $1.000000000e+00;
	(erf) = vrcp.f32 v15;
	v15 =	vmul.f32 v3, v7;
	v10 =	vpop (erf)  }
0x18e: {  	(erf) = vrcp.f32 v5;
	v2 =	vmax.f32 v2, $0.0e+00;
	v5 =	vld [tilespmem:s6+$0xF580];
	v4 =	vadd.f32 $1.500000000e+00, v4;
	v3 =	vpop (erf)  }
0x18f: {  	v2 =	vmul.f32 v2, v3;
	v3 =	vmul.f32 v15, v9  }
0x190: {  	v9 =	vmul.f32 v10, v14;
	v4 =	vmul.f32 v11, v4  }
0x191: {  	v10 =	vadd.f32 $-1.000000000e+00, v13;
	v14 =	vmul.f32 v3, v15  }
0x192: {  	v11 =	vld [tilespmem:s30+$0xF300];
	v2 =	vmax.f32 v2, $1.000000000e-30;
	v6 =	vmul.f32 v9, v6;
	v17 =	vmul.f32 v4, v12  }
0x193: {  	[tilespmem:s30+$0xF800] =	vst v9;
	v16 =	vshrl.u32 v2, $0x1;
	v3 =	vmul.f32 $-5.000000000e-01, v2;
	v7 =	vmul.f32 $1.280000000e+02, v5  }
0x194: {  	v19 =	vld [tilespmem:s5+$0xF080];
	v5 =	vadd.f32 $1.500000000e+00, v14;
	v14 =	vsub.s32 $0x5F3759DF, v16;
	v6 =	vmul.f32 v6, v9  }
0x195: {  	v9 =	vmul.f32 v17, v4;
	v16 =	vmul.f32 v14, v3;
	v17 =	vmax.f32 v7, $1.000000000e+00  }
0x196: {  	v10 =	vmax.f32 v10, $1.000000000e+00;
	v5 =	vmul.f32 v5, v15;
	(erf) = vrcp.f32 v17  }
0x197: {  	v6 =	vsub.f32 v11, v6;
	v9 =	vadd.f32 $1.500000000e+00, v9;
	v11 =	vpop (erf);
	v15 =	vmul.f32 v14, v16  }
0x198: {  	s11 =	simm.s32 $0x60;
	v5 =	vmul.f32 v5, v8;
	v8 =	vpop (erf);
	(erf) = vrcp.f32 v10  }
0x199: {  	v6 =	vmax.f32 v6, $0.0e+00;
	v10 =	vmul.f32 v9, v4;
	v9 =	vld [tilespmem:s11+$0xF580];
	v16 =	vmul.f32 v11, v19  }
0x19a: {  	v4 =	vmul.f32 v6, v8;
	v6 =	vadd.f32 $1.500000000e+00, v15;
	v5 =	vadd.f32 $9.999999740e-06, v5  }
0x19b: {  	v15 =	vadd.f32 $-1.000000000e+00, v7;
	v8 =	vmul.f32 v10, v12;
	v13 =	vmul.f32 v16, v13  }
0x19c: {  	v4 =	vmax.f32 v4, $1.000000000e-30;
	v6 =	vmul.f32 v14, v6;
	(erf) = vrcp.f32 v5  }
0x19d: {  	v12 =	vld [tilespmem:s5+$0xF300];
	v11 =	vshrl.u32 v4, $0x1;
	v5 =	vmul.f32 $-5.000000000e-01, v4;
	v14 =	vmul.f32 v8, v10  }
0x19e: {  	v8 =	vsub.s32 $0x5F3759DF, v11;
	v17 =	vmul.f32 v6, v3;
	v9 =	vmul.f32 $1.280000000e+02, v9  }
0x19f: {  	v11 =	vmax.f32 v15, $1.000000000e+00;
	v15 =	vmul.f32 v13, v16;
	v14 =	vadd.f32 $1.500000000e+00, v14  }
0x1a0: {  	[tilespmem:s5+$0xF800] =	vst v16;
	v19 =	vmul.f32 v8, v5;
	v17 =	vmul.f32 v17, v6  }
0x1a1: {  	v16 =	vld [tilespmem:s6+$0xF080];
	v20 =	vmax.f32 v9, $1.000000000e+00;
	v21 =	vadd.f32 $-1.000000000e+00, v9;
	v22 =	vmul.f32 v14, v10  }
0x1a2: {  	v13 =	vpop (erf);
	v15 =	vsub.f32 v12, v15;
	(erf) = vrcp.f32 v20;
	v10 =	vadd.f32 $1.500000000e+00, v17  }
0x1a3: {  	s15 =	simm.s32 $0x1C0;
	v12 =	vmul.f32 v8, v19;
	v17 =	vmax.f32 v21, $1.000000000e+00;
	v14 =	vpop (erf);
	v18 =	vmul.f32 v22, v18  }
.LBB2_4:
0x1a4: {  	s16 =	sshra.s32 s15, $0x2;
	p0 =	sne.s32 s15, $0x9C0;
	s15 =	sadd.s32 $0x40, s15;
	(erf) = vrcp.f32 v11;
	v19 =	vmax.f32 v15, $0.0e+00;
	v10 =	vmul.f32 v10, v6;
	v11 =	vmovc v17  }
0x1a5: {  	v17 =	vld [tilespmem:s16+$0xF580];
	v6 =	vmul.f32 v19, v14;
	v12 =	vadd.f32 $1.500000000e+00, v12;
	v14 =	vadd.f32 $9.999999740e-06, v18;
	v15 =	vpop (erf)  }
0x1a6: {  	v16 =	vmul.f32 v13, v16;
	v13 =	vmul.f32 v10, v3;
	[tilespmem:s10+$0xFA80] =	vst v15;
	v3 =	vmov v5;
	s10 =	smov.u32 s9;
	s9 =	smov.u32 s23;
	s23 =	smov.u32 s30  }
0x1a7: {  	s30 =	smov.u32 s5;
	s5 =	smov.u32 s6;
	s6 =	smov.u32 s11;
	v19 =	vmax.f32 v6, $1.000000000e-30;
	v6 =	vmul.f32 v8, v12;
	(erf) = vrcp.f32 v14  }
0x1a8: {  	s11 =	smov.u32 s16;
	v12 =	vld [tilespmem:s5+$0xF300];
	[tilespmem:s5+$0xF800] =	vst v16;
	v8 =	vshrl.u32 v19, $0x1;
	v5 =	vmul.f32 $-5.000000000e-01, v19;
	v20 =	vmul.f32 v13, v10  }
0x1a9: {  	v14 =	vmul.f32 v16, v7;
	v7 =	vmovc v9;
	v8 =	vsub.s32 $0x5F3759DF, v8;
	v15 =	vmul.f32 v6, v3  }
.Ltmp1:
0x1aa: {  	v9 =	vmul.f32 $1.280000000e+02, v17;
	v18 =	vmul.f32 v8, v5;
	v17 =	vadd.f32 $1.500000000e+00, v20;
	(pc) =	sbr.rel @p0 .LBB2_4-.Ltmp1, $4  }
0x1ab: {  	v23 =	vmul.f32 v14, v16;
	v13 =	vpop (erf);
	v20 =	vmul.f32 v15, v6  }
0x1ac: {  	v15 =	vmax.f32 v9, $1.000000000e+00;
	v21 =	vadd.f32 $-1.000000000e+00, v9;
	v16 =	vld [tilespmem:s6+$0xF080];
	v22 =	vmul.f32 v17, v10  }
0x1ad: {  	(erf) = vrcp.f32 v15;
	v15 =	vsub.f32 v12, v23;
	v14 =	vpop (erf);
	v10 =	vadd.f32 $1.500000000e+00, v20  }
0x1ae: {  	v12 =	vmul.f32 v8, v18;
	v17 =	vmax.f32 v21, $1.000000000e+00;
	v18 =	vmul.f32 v22, v2;
	v2 =	vmovc v4;
	v4 =	vmovc v19  }
0x1af: {  	_ = 	snop  }
0x1b0: {  	v18 =	vadd.f32 $9.999999740e-06, v18  }
0x1b1: {  	(erf) = vrcp.f32 v11  }
0x1b2: {  	(erf) = vrcp.f32 v18;
	_ =	sdelay $0x1  }
0x1b3: {  	v27 =	vpop (erf);
	v13 =	vmul.f32 v13, v16  }
0x1b4: {  	[tilespmem:s10+$0xFA80] =	vst v27  }
0x1b5: {  	[tilespmem:s6+$0xF800] =	vst v13  }
0x1b6: {  	v28 =	vld [tilespmem:s11+$0xF080];
	_ =	sdelay $0x1  }
0x1b7: {  	v29 =	vpop (erf)  }
0x1b8: {  	v19 =	vpop (erf)  }
0x1b9: {  	(erf) = vrcp.f32 v17;
	v30 =	vpop (erf)  }
0x1ba: {  	v11 =	vld [tilespmem:s6+$0xF300];
	v16 =	vmul.f32 v29, v28;
	[tilespmem:s9+$0xFA80] =	vst v30  }
0x1bb: {  	v7 =	vmul.f32 v13, v7;
	v17 =	vld [tilespmem:s11+$0xF300]  }
0x1bc: {  	v9 =	vmul.f32 v16, v9  }
0x1bd: {  	v31 =	vmax.f32 v15, $0.0e+00;
	v7 =	vmul.f32 v7, v13  }
0x1be: {  	v32 =	vmul.f32 v31, v14;
	v9 =	vmul.f32 v9, v16  }
0x1bf: {  	v7 =	vsub.f32 v11, v7  }
0x1c0: {  	v11 =	vmax.f32 v32, $1.000000000e-30;
	v9 =	vsub.f32 v17, v9  }
0x1c1: {  	v33 =	vshrl.u32 v11, $0x1;
	v7 =	vmax.f32 v7, $0.0e+00  }
0x1c2: {  	v35 =	vmul.f32 $-5.000000000e-01, v11;
	v7 =	vmul.f32 v7, v19;
	v34 =	vpop (erf);
	v9 =	vmax.f32 v9, $0.0e+00  }
0x1c3: {  	v13 =	vsub.s32 $0x5F3759DF, v33;
	v9 =	vmul.f32 v9, v34  }
0x1c4: {  	v38 =	vmul.f32 v13, v35;
	v7 =	vmax.f32 v7, $1.000000000e-30  }
0x1c5: {  	v36 =	vshrl.u32 v7, $0x1;
	v37 =	vmul.f32 $-5.000000000e-01, v7;
	v9 =	vmax.f32 v9, $1.000000000e-30  }
0x1c6: {  	v14 =	vsub.s32 $0x5F3759DF, v36;
	v20 =	vshrl.u32 v9, $0x1;
	v21 =	vmul.f32 $-5.000000000e-01, v9  }
0x1c7: {  	v39 =	vmul.f32 v14, v37;
	v20 =	vsub.s32 $0x5F3759DF, v20  }
0x1c8: {  	v18 =	vmul.f32 v13, v38;
	v22 =	vmul.f32 v20, v21  }
0x1c9: {  	v12 =	vadd.f32 $1.500000000e+00, v12;
	v19 =	vmul.f32 v14, v39  }
0x1ca: {  	v18 =	vadd.f32 $1.500000000e+00, v18;
	v22 =	vmul.f32 v20, v22  }
0x1cb: {  	v8 =	vmul.f32 v8, v12;
	v19 =	vadd.f32 $1.500000000e+00, v19  }
0x1cc: {  	v6 =	vmul.f32 v10, v6;
	v40 =	vmul.f32 v13, v18;
	v42 =	vadd.f32 $1.500000000e+00, v22  }
0x1cd: {  	v43 =	vmul.f32 v8, v5;
	v41 =	vmul.f32 v14, v19  }
0x1ce: {  	v44 =	vmul.f32 v40, v35;
	v14 =	vmul.f32 v20, v42  }
0x1cf: {  	v18 =	vmul.f32 v43, v8;
	v45 =	vmul.f32 v41, v37  }
0x1d0: {  	v19 =	vmul.f32 v44, v40;
	v47 =	vmul.f32 v14, v21  }
0x1d1: {  	v48 =	vadd.f32 $1.500000000e+00, v18;
	v46 =	vmul.f32 v45, v41  }
0x1d2: {  	v3 =	vmul.f32 v6, v3;
	v49 =	vadd.f32 $1.500000000e+00, v19;
	v51 =	vmul.f32 v47, v14  }
0x1d3: {  	v8 =	vmul.f32 v48, v8;
	v50 =	vadd.f32 $1.500000000e+00, v46  }
0x1d4: {  	v3 =	vmul.f32 v3, v6;
	v52 =	vmul.f32 v49, v40;
	v54 =	vadd.f32 $1.500000000e+00, v51  }
0x1d5: {  	v55 =	vmul.f32 v8, v5;
	v53 =	vmul.f32 v50, v41  }
0x1d6: {  	v15 =	vmul.f32 v52, v35;
	v13 =	vmul.f32 v54, v14  }
0x1d7: {  	v5 =	vmul.f32 v55, v8;
	v56 =	vmul.f32 v53, v37  }
0x1d8: {  	v3 =	vadd.f32 $1.500000000e+00, v3;
	v15 =	vmul.f32 v15, v52;
	v57 =	vmul.f32 v13, v21  }
0x1d9: {  	v5 =	vadd.f32 $1.500000000e+00, v5;
	v14 =	vmul.f32 v56, v53  }
0x1da: {  	v3 =	vmul.f32 v3, v6;
	v58 =	vadd.f32 $1.500000000e+00, v15;
	v59 =	vmul.f32 v57, v13  }
0x1db: {  	v5 =	vmul.f32 v5, v8;
	v60 =	vadd.f32 $1.500000000e+00, v14  }
0x1dc: {  	v2 =	vmul.f32 v3, v2;
	v3 =	vmul.f32 v58, v52;
	v61 =	vadd.f32 $1.500000000e+00, v59  }
0x1dd: {  	v4 =	vmul.f32 v5, v4;
	v62 =	vmul.f32 v60, v53  }
0x1de: {  	v2 =	vadd.f32 $9.999999740e-06, v2;
	v3 =	vmul.f32 v3, v11;
	v6 =	vmul.f32 v61, v13  }
0x1df: {  	v4 =	vadd.f32 $9.999999740e-06, v4;
	v5 =	vmul.f32 v62, v7  }
0x1e0: {  	(erf) = vrcp.f32 v2;
	v2 =	vadd.f32 $9.999999740e-06, v3;
	v3 =	vmul.f32 v6, v9  }
0x1e1: {  	(erf) = vrcp.f32 v4;
	v63 =	vadd.f32 $9.999999740e-06, v5  }
0x1e2: {  	(erf) = vrcp.f32 v2;
	v2 =	vadd.f32 $9.999999740e-06, v3  }
0x1e3: {  	(erf) = vrcp.f32 v63  }
0x1e4: {  	(erf) = vrcp.f32 v2;
	_ =	sdelay $0x4  }
0x1e5: {  	[tilespmem:s11+$0xF800] =	vst v16;
	v2 =	vpop (erf)  }
0x1e6: {  	v3 =	vpop (erf);
	[tilespmem:s23+$0xFA80] =	vst v2  }
0x1e7: {  	[tilespmem:s30+$0xFA80] =	vst v3;
	v2 =	vpop (erf)  }
0x1e8: {  	[tilespmem:s5+$0xFA80] =	vst v2;
	v2 =	vpop (erf)  }
0x1e9: {  	[tilespmem:s6+$0xFA80] =	vst v2;
	v2 =	vpop (erf)  }
0x1ea: {  	s9 =	simm.s32 $0xF800;
	s6 =	rddreg [dreg:$0xb];
	[tilespmem:s11+$0xFA80] =	vst v2  }
0x1eb: {  	[spmem:s6] =	stream.linear.scatter [tilespmem:s9], [sflag:$0x2], $0x280, $0x38;
	[tilespmem:$0x1A880] =	vst v63  }
0x1ec: {  	_ =	swait.ge [sflag:s21], $0x280  }
0x1ed: {  	[sflag:s21] =	ssyncset.done $0x0  }
0x1ee: {  	s11 =	simm.s32 $0xFA80;
	s10 =	rddreg [dreg:$0xc];
	[sflag:s21] =	ssyncadd.s32 $0xFFFFFD80  }
0x1ef: {  	[spmem:s10] =	stream.linear.scatter [tilespmem:s11], [sflag:$0x2], $0x280, $0x38;
	[tilespmem:$0x1A880] =	vst v63  }
0x1f0: {  	_ =	swait.ge [sflag:s21], $0x280  }
0x1f1: {  	[sflag:s21] =	ssyncset.done $0x0  }
0x1f2: {  	[sflag:s21] =	ssyncadd.s32 $0xFFFFFD80  }
0x1f3: {  	[bflag:$0x0] =	sbarrier.arrive $0xFFFF  }
0x1f4: {  	s15 =	rddreg [dreg:$0x5]  }
0x1f5: {  	[tilespmem:s31], [sflag:$0x2] =	stream.linear.gather [spmem:s15], $0x2800, $0x38;
	[tilespmem:$0x1A880] =	vst v63  }
0x1f6: {  	_ =	swait.ge [sflag:s21], $0x2800  }
0x1f7: {  	[sflag:s21] =	ssyncset.done $0x0  }
0x1f8: {  	[sflag:s21] =	ssyncadd.s32 $0xFFFFD800  }
0x1f9: {  	s23 =	sadd.s32 $0x0, s20;
	s16 =	rddreg [dreg:$0x6]  }
0x1fa: {  	[tilespmem:s0], [sflag:$0x2] =	stream.linear.gather [spmem:s16], $0x2800, $0x38;
	[tilespmem:$0x1A880] =	vst v63  }
0x1fb: {  	s5 =	sand.u32 $0x1FE00, s23;
	_ =	swait.ge [sflag:s21], $0x2800  }
0x1fc: {  	s30 =	sand.u32 $0x70, s8;
	s5 =	sshrl.u32 s5, $0x2;
	[sflag:s21] =	ssyncset.done $0x0  }
0x1fd: {  	s5 =	sor.u32 s30, s5;
	[sflag:s21] =	ssyncadd.s32 $0xFFFFD800  }
0x1fe: {  	v2 =	vld [tilespmem:s5+$0x0];
	_ =	sdelay $0x7  }
0x1ff: {  	v3 =	vld.idx.msk [tilespmem:v2+s31+$0x0], $0xffff;
	_ =	sdelay $0x3  }
0x200: {  	s10 =	simm.s32 $0x0  }
0x201: {  	[tilespmem:s10+$0x14D00] =	vst v3  }
0x202: {  	v2 =	vld.idx.msk [tilespmem:v2+s0+$0x0], $0xffff  }
0x203: {  	s9 =	simm.s32 $0x80  }
0x204: {  	s6 =	smov.u32 s8;
	s11 =	sadd.s32 $0x40, s20;
	s5 =	simm.s32 $0x40  }
.LBB2_6:
0x205: {  	p0 =	sne.s32 s9, $0x9CC0;
	s11 =	sand.u32 $0x1FE00, s11;
	s6 =	sadd.s32 $0x10, s6  }
0x206: {  	s15 =	sand.u32 $0x70, s6;
	s11 =	sshrl.u32 s11, $0x2  }
0x207: {  	s11 =	sor.u32 s15, s11;
	[tilespmem:s10+$0x17480] =	vst v2  }
0x208: {  	v2 =	vld [tilespmem:s11+$0x0];
	_ =	sdelay $0x7  }
0x209: {  	v3 =	vld.idx.msk [tilespmem:v2+s31+$0x0], $0xffff;
	_ =	sdelay $0x4  }
0x20a: {  	s10 =	sshra.s32 s5, $0x2;
	s5 =	smov.u32 s9  }
.Ltmp2:
0x20b: {  	[tilespmem:s10+$0x14D00] =	vst v3;
	(pc) =	sbr.rel @p0 .LBB2_6-.Ltmp2, $2  }
0x20c: {  	v2 =	vld.idx.msk [tilespmem:v2+s0+$0x0], $0xffff;
	_ =	sdelay $0x2  }
0x20d: {  	s9 =	sadd.s32 $0x40, s9;
	s11 =	sadd.s32 s5, s20  }
0x20e: {  	s9 =	sand.u32 $0x1FE00, s11;
	s6 =	sadd.s32 $0x10, s6  }
0x20f: {  	s6 =	sand.u32 $0x70, s6;
	s9 =	sshrl.u32 s9, $0x2  }
0x210: {  	[tilespmem:s10+$0x17480] =	vst v2;
	s6 =	sor.u32 s6, s9  }
0x211: {  	v2 =	vld [tilespmem:s6+$0x0];
	_ =	sdelay $0x7  }
0x212: {  	v3 =	vld.idx.msk [tilespmem:v2+s31+$0x0], $0xffff;
	_ =	sdelay $0x3  }
0x213: {  	s5 =	sshra.s32 s5, $0x2  }
0x214: {  	[tilespmem:s5+$0x14D00] =	vst v3  }
0x215: {  	v2 =	vld.idx.msk [tilespmem:v2+s0+$0x0], $0xffff;
	_ =	sdelay $0x4  }
0x216: {  	s23 =	simm.s32 $0x14D00;
	[tilespmem:s5+$0x17480] =	vst v2  }
0x217: {  	[hbm4b:s17+s7] =	stream.linear.scatter [tilespmem:s23], [sflag:$0x2], $0x2740, $0x38;
	[tilespmem:$0x1A880] =	vst v63  }
0x218: {  	s22 =	sadd.s32 $0x1, s22;
	_ =	swait.ge [sflag:s21], $0x2740  }
0x219: {  	p0 =	sne.s32 s22, s19;
	[sflag:s21] =	ssyncset.done $0x0  }
.Ltmp3:
0x21a: {  	s30 =	simm.s32 $0x17480;
	[sflag:s21] =	ssyncadd.s32 $0xFFFFD8C0;
	(pc) =	sbr.rel @p0 .LBB2_1-.Ltmp3, $4  }
0x21b: {  	[hbm4b:s18+s7] =	stream.linear.scatter [tilespmem:s30], [sflag:$0x2], $0x2740, $0x38;
	[tilespmem:$0x1A880] =	vst v63  }
0x21c: {  	_ =	swait.ge [sflag:s21], $0x2740  }
0x21d: {  	[sflag:s21] =	ssyncset.done $0x0  }
0x21e: {  	[sflag:s21] =	ssyncadd.s32 $0xFFFFD8C0  }
0x21f: {  	_ =	sfence.sel $0x180000  }
0x220: {  	[bflag:$0x0] =	sbarrier.arrive $0xFFFF  }
0x221: {  	_ =	strace $0x90000047  }
0x222: {  	s0 =	stileid.u32;
	[bflag:$0x2] =	sbarrier.arrive $0xFFFF  }
0x223: {  	p0 =	sne.s32 s0, $0x0;
	s0 =	rddreg [dreg:$0x7]  }
0x224: {  	s0 =	sadd.s32 @!p0 $0x100000, s0  }
0x225: {  	[sflag:s0] =	ssyncadd.tile.s32 @!p0 $0x1;
	_ =	shalt  }
.Lfunc_end2:
_tile_overlayer_lowered:
.L_overlay_start_2:
0x226: {  	(tag) =	ssettag $0x2  }
0x227: {  	s0 =	rddreg [dreg:$0x0];
	s2 =	stileid.u32  }
0x228: {  	s1 =	rddreg [dreg:$0x1];
	p0 =	sne.s32 s2, $0x0  }
0x229: {  	s3 =	rddreg [dreg:$0x2];
	[bflag:$0x3] =	sbarrier.arrive $0xFFFF;
	s2 =	simm.s32 @!p0 $0x1C02  }
0x22a: {  	[timem:s3], [sflag:s2] =	dma.local @!p0 [hbm:s0], s1  }
0x22b: {  	s0 =	simm.s32 @!p0 $0x2  }
0x22c: {  	_ =	swait.ge @!p0 [sflag:s0], s1  }
0x22d: {  	s1 =	ssub.s32 @!p0 $0x0, s1;
	[sflag:s0] =	ssyncset.done @!p0 $0x0  }
0x22e: {  	[sflag:s0] =	ssyncadd.s32 @!p0 s1  }
0x22f: {  	[bflag:$0x3] =	sbarrier.arrive $0xFFFF  }
0x230: {  	_ =	shalt  }

</sc_bundles>
